<compile_context>
chip_gen: v7x
topology: tpu7x:2x2x1
jax: 0.10.2.dev20260603
libtpu: 0.0.44.dev20260713+nightly
codegen_flags: <defaults>
</compile_context>

<pallas_src>
import functools

import jax
import jax.numpy as jnp
from jax import lax
from jax.experimental import pallas as pl
from jax.experimental.pallas import tpu as pltpu
from jax.experimental.pallas import tpu_sc as plsc

VOCAB = 1000000
HIDDEN = 64
B = 4096
L = 200
N = B * L

NC, NS, LANES = 2, 16, 16
NW = NC * NS
IDX_W = 128
SUB = 8
CHUNK = SUB * IDX_W
PER_W = N // NW
ROWS_PER_W = PER_W // IDX_W
NITER = PER_W // CHUNK


def _fuse_body(dow_ref, hod_ref, out_ref):
    for d in range(8):
        out_ref[d * 25:(d + 1) * 25, :] = dow_ref[d:d + 1, :] + hod_ref[...]


def _fuse_tables(dow_emb, hod_emb):
    return pl.pallas_call(
        _fuse_body,
        out_shape=jax.ShapeDtypeStruct((200, HIDDEN), jnp.float32),
    )(dow_emb, hod_emb)


def _sc_body(enc_hbm, dow_hbm, hod_hbm, emb_hbm, fused_hbm, out_hbm,
             idx_a, idx_b, dv, rows_a, sem, semi):
    wid = lax.axis_index("s") * NC + lax.axis_index("c")
    row0 = wid * ROWS_PER_W

    def chunk_body(t, carry):
        rbase = row0 + t * SUB
        obase = (row0 + t * SUB) * IDX_W

        c1 = pltpu.async_copy(enc_hbm.at[pl.ds(rbase, SUB)], idx_a, semi)
        c2 = pltpu.async_copy(dow_hbm.at[pl.ds(rbase, SUB)], dv, semi)
        c3 = pltpu.async_copy(hod_hbm.at[pl.ds(rbase, SUB)], idx_b, semi)
        c1.wait(); c2.wait(); c3.wait()

        for j in range(SUB):
            for i in range(IDX_W // LANES):
                sl = pl.ds(i * LANES, LANES)
                idx_b[j, sl] = dv[j, sl] * 25 + idx_b[j, sl]

        copies = []
        for j in range(SUB):
            dst = pl.ds(j * IDX_W, IDX_W)
            copies.append(pltpu.async_copy(
                emb_hbm.at[idx_a.at[j]], rows_a.at[dst], sem))
        for cp in copies:
            cp.wait()

        copies = []
        for j in range(SUB):
            dst = pl.ds(j * IDX_W, IDX_W)
            copies.append(pltpu.async_copy(
                fused_hbm.at[idx_b.at[j]], rows_a.at[dst], sem, add=True))
        for cp in copies:
            cp.wait()

        pltpu.sync_copy(rows_a, out_hbm.at[pl.ds(obase, CHUNK)])
        return carry

    lax.fori_loop(0, NITER, chunk_body, 0)


def _sc_lookup(enc2, dow2, hod2, embedding, fused):
    mesh = plsc.VectorSubcoreMesh(core_axis_name="c", subcore_axis_name="s")
    k = pl.kernel(
        _sc_body,
        out_type=jax.ShapeDtypeStruct((N, HIDDEN), jnp.float32),
        mesh=mesh,
        compiler_params=pltpu.CompilerParams(use_tc_tiling_on_sc=False),
        scratch_types=[
            pltpu.VMEM((SUB, IDX_W), jnp.int32),
            pltpu.VMEM((SUB, IDX_W), jnp.int32),
            pltpu.VMEM((SUB, IDX_W), jnp.int32),
            pltpu.VMEM((CHUNK, HIDDEN), jnp.float32),
            pltpu.SemaphoreType.DMA,
            pltpu.SemaphoreType.DMA,
        ],
    )
    return k(enc2, dow2, hod2, embedding, fused)


def kernel(enc_src, DoW, HoD, embedding, DoW_Emb, HoD_Emb):
    enc2 = jnp.asarray(enc_src, jnp.int32).reshape(N // IDX_W, IDX_W)
    dow2 = jnp.asarray(DoW, jnp.int32).reshape(N // IDX_W, IDX_W)
    hod2 = jnp.asarray(HoD, jnp.int32).reshape(N // IDX_W, IDX_W)
    fused = _fuse_tables(DoW_Emb.astype(jnp.float32), HoD_Emb.astype(jnp.float32))
    out = _sc_lookup(enc2, dow2, hod2, embedding.astype(jnp.float32), fused)
    return out.reshape(B, L, HIDDEN)

# --- scband reference (transcript-rebuilt; emitter-appended) ---
"""Pipeline reference for scband-encoder-emb-53652731461833 (READ-ONLY COPY).

The authoritative reference and input builder live on the scoring server;
editing this copy changes nothing except your own understanding.
"""

import jax, jax.numpy as jnp
import numpy as np

VOCAB = 1000000
HIDDEN = 64
B = 4096
L = 200

def setup_inputs(seed: int = 0) -> dict:
    key = jax.random.key(seed)
    k1, k2, k3, k4, k5, k6 = jax.random.split(key, 6)
    enc_src = jax.random.randint(k1, (B, L), 0, VOCAB)
    DoW = jax.random.randint(k2, (B, L), 0, 8)
    HoD = jax.random.randint(k3, (B, L), 0, 25)
    embedding = jax.random.normal(k4, (VOCAB, HIDDEN), dtype=jnp.float32) * 0.02
    DoW_Emb = jax.random.normal(k5, (8, HIDDEN), dtype=jnp.float32) * 0.02
    HoD_Emb = jax.random.normal(k6, (25, HIDDEN), dtype=jnp.float32) * 0.02
    return {"enc_src": enc_src, "DoW": DoW, "HoD": HoD,
            "embedding": embedding, "DoW_Emb": DoW_Emb, "HoD_Emb": HoD_Emb}

def reference(enc_src, DoW, HoD, embedding, DoW_Emb, HoD_Emb):
    enc_src_emb = jnp.take(embedding, enc_src, axis=0)
    enc_dow_emb = jnp.take(DoW_Emb, DoW, axis=0)
    enc_hod_emb = jnp.take(HoD_Emb, HoD, axis=0)
    return enc_src_emb + enc_dow_emb + enc_hod_emb

if __name__ == "__main__":
    import jax
    _d = setup_inputs()
    print(jax.jit(kernel)(*tuple(_d.values())))

</pallas_src>

<mosaic_0001>
#map = affine_map<(d0, d1) -> (0, 0)>
module attributes {stable_mosaic.version = 14 : i64} {
  func.func @_sc_body(%arg0: i32, %arg1: i32, %arg2: memref<6400x128xi32, #tpu.memory_space<hbm>>, %arg3: memref<6400x128xi32, #tpu.memory_space<hbm>>, %arg4: memref<6400x128xi32, #tpu.memory_space<hbm>>, %arg5: memref<1000000x64xf32, #tpu.memory_space<hbm>>, %arg6: memref<200x64xf32, #tpu.memory_space<hbm>>, %arg7: memref<819200x64xf32, #tpu.memory_space<hbm>>, %arg8: memref<8x128xi32, #tpu.memory_space<vmem>>, %arg9: memref<8x128xi32, #tpu.memory_space<vmem>>, %arg10: memref<8x128xi32, #tpu.memory_space<vmem>>, %arg11: memref<1024x64xf32, #tpu.memory_space<vmem>>, %arg12: memref<!tpu.dma_semaphore, #tpu.memory_space<semaphore_mem>>, %arg13: memref<!tpu.dma_semaphore, #tpu.memory_space<semaphore_mem>>) attributes {dimension_semantics = [#tpu.dimension_semantics<core_parallel>, #tpu.dimension_semantics<subcore_parallel>], iteration_bounds = array<i64: 2, 16>, scalar_prefetch = 0 : i64, scratch_operands = 6 : i64, tpu.core_type = #tpu.core_type<sc_vector_subcore>, window_params = [{transform_indices = #map}, {transform_indices = #map}, {transform_indices = #map}, {transform_indices = #map}, {transform_indices = #map}, {transform_indices = #map}]} {
    %mul3A = arith.constant 2 : i32
    %mul3A_0 = arith.muli %arg1, %mul3A : i32
    %add3A = arith.addi %mul3A_0, %arg0 : i32
    %mul3A_1 = arith.constant 200 : i32
    %mul3A_2 = arith.muli %add3A, %mul3A_1 : i32
    %scan3A = arith.constant 0 : i32
    %scan3A_3 = arith.constant 0 : i32
    %scan3A_4 = arith.constant 25 : i32
    %scan3A_5 = arith.addi %scan3A_3, %scan3A_4 : i32
    %scan3A_6 = arith.constant 1 : i32
    scf.for %scan3A_8 = %scan3A_3 to %scan3A_5 step %scan3A_6  : i32 {
      %mul3A_9 = arith.constant 8 : i32
      %mul3A_10 = arith.muli %scan3A_8, %mul3A_9 : i32
      %add3A_11 = arith.addi %mul3A_2, %mul3A_10 : i32
      %mul3A_12 = arith.constant 8 : i32
      %mul3A_13 = arith.muli %scan3A_8, %mul3A_12 : i32
      %add3A_14 = arith.addi %mul3A_2, %mul3A_13 : i32
      %mul3A_15 = arith.constant 128 : i32
      %mul3A_16 = arith.muli %add3A_14, %mul3A_15 : i32
      %dma_start3A = arith.constant 0 : i32
      %dma_start3A_17 = tpu.memref_slice %arg2[%add3A_11, %dma_start3A] : memref<6400x128xi32, #tpu.memory_space<hbm>> -> memref<8x128xi32, #tpu.memory_space<hbm>>
      %dma_start3A_18 = arith.constant 0 : i32
      %dma_start3A_19 = tpu.memref_slice %arg2[%add3A_11, %dma_start3A_18] : memref<6400x128xi32, #tpu.memory_space<hbm>> -> memref<8x128xi32, #tpu.memory_space<hbm>>
      tpu.enqueue_dma source(%dma_start3A_19 : memref<8x128xi32, #tpu.memory_space<hbm>>) target(%arg8 : memref<8x128xi32, #tpu.memory_space<vmem>>) target_semaphore(%arg13 : memref<!tpu.dma_semaphore, #tpu.memory_space<semaphore_mem>>)
      %dma_start3A_20 = arith.constant 0 : i32
      %dma_start3A_21 = tpu.memref_slice %arg3[%add3A_11, %dma_start3A_20] : memref<6400x128xi32, #tpu.memory_space<hbm>> -> memref<8x128xi32, #tpu.memory_space<hbm>>
      %dma_start3A_22 = arith.constant 0 : i32
      %dma_start3A_23 = tpu.memref_slice %arg3[%add3A_11, %dma_start3A_22] : memref<6400x128xi32, #tpu.memory_space<hbm>> -> memref<8x128xi32, #tpu.memory_space<hbm>>
      tpu.enqueue_dma source(%dma_start3A_23 : memref<8x128xi32, #tpu.memory_space<hbm>>) target(%arg10 : memref<8x128xi32, #tpu.memory_space<vmem>>) target_semaphore(%arg13 : memref<!tpu.dma_semaphore, #tpu.memory_space<semaphore_mem>>)
      %dma_start3A_24 = arith.constant 0 : i32
      %dma_start3A_25 = tpu.memref_slice %arg4[%add3A_11, %dma_start3A_24] : memref<6400x128xi32, #tpu.memory_space<hbm>> -> memref<8x128xi32, #tpu.memory_space<hbm>>
      %dma_start3A_26 = arith.constant 0 : i32
      %dma_start3A_27 = tpu.memref_slice %arg4[%add3A_11, %dma_start3A_26] : memref<6400x128xi32, #tpu.memory_space<hbm>> -> memref<8x128xi32, #tpu.memory_space<hbm>>
      tpu.enqueue_dma source(%dma_start3A_27 : memref<8x128xi32, #tpu.memory_space<hbm>>) target(%arg9 : memref<8x128xi32, #tpu.memory_space<vmem>>) target_semaphore(%arg13 : memref<!tpu.dma_semaphore, #tpu.memory_space<semaphore_mem>>)
      %dma_wait3A = arith.constant 0 : i32
      %dma_wait3A_28 = tpu.memref_slice %arg2[%add3A_11, %dma_wait3A] : memref<6400x128xi32, #tpu.memory_space<hbm>> -> memref<8x128xi32, #tpu.memory_space<hbm>>
      %dma_wait3A_29 = arith.constant 0 : i32
      %dma_wait3A_30 = tpu.memref_slice %arg2[%add3A_11, %dma_wait3A_29] : memref<6400x128xi32, #tpu.memory_space<hbm>> -> memref<8x128xi32, #tpu.memory_space<hbm>>
      tpu.wait_dma2 semaphore(%arg13 : memref<!tpu.dma_semaphore, #tpu.memory_space<semaphore_mem>>) src(%dma_wait3A_30 : memref<8x128xi32, #tpu.memory_space<hbm>>) dst(%arg8 : memref<8x128xi32, #tpu.memory_space<vmem>>)
      %dma_wait3A_31 = arith.constant 0 : i32
      %dma_wait3A_32 = tpu.memref_slice %arg3[%add3A_11, %dma_wait3A_31] : memref<6400x128xi32, #tpu.memory_space<hbm>> -> memref<8x128xi32, #tpu.memory_space<hbm>>
      %dma_wait3A_33 = arith.constant 0 : i32
      %dma_wait3A_34 = tpu.memref_slice %arg3[%add3A_11, %dma_wait3A_33] : memref<6400x128xi32, #tpu.memory_space<hbm>> -> memref<8x128xi32, #tpu.memory_space<hbm>>
      tpu.wait_dma2 semaphore(%arg13 : memref<!tpu.dma_semaphore, #tpu.memory_space<semaphore_mem>>) src(%dma_wait3A_34 : memref<8x128xi32, #tpu.memory_space<hbm>>) dst(%arg10 : memref<8x128xi32, #tpu.memory_space<vmem>>)
      %dma_wait3A_35 = arith.constant 0 : i32
      %dma_wait3A_36 = tpu.memref_slice %arg4[%add3A_11, %dma_wait3A_35] : memref<6400x128xi32, #tpu.memory_space<hbm>> -> memref<8x128xi32, #tpu.memory_space<hbm>>
      %dma_wait3A_37 = arith.constant 0 : i32
      %dma_wait3A_38 = tpu.memref_slice %arg4[%add3A_11, %dma_wait3A_37] : memref<6400x128xi32, #tpu.memory_space<hbm>> -> memref<8x128xi32, #tpu.memory_space<hbm>>
      tpu.wait_dma2 semaphore(%arg13 : memref<!tpu.dma_semaphore, #tpu.memory_space<semaphore_mem>>) src(%dma_wait3A_38 : memref<8x128xi32, #tpu.memory_space<hbm>>) dst(%arg9 : memref<8x128xi32, #tpu.memory_space<vmem>>)
      %get3A = arith.constant 0 : i32
      %get3A_39 = arith.index_cast %get3A : i32 to index
      %get3A_40 = arith.constant 0 : index
      %get3A_41 = tpu.vector_load %arg10[%get3A_39, %get3A_40] {strides = array<i32>} : memref<8x128xi32, #tpu.memory_space<vmem>>, vector<1x16xi32>,
      %get3A_42 = vector.shape_cast %get3A_41 : vector<1x16xi32> to vector<16xi32>
      %mul3A_43 = arith.constant 25 : i32
      %mul3A_44 = vector.broadcast %mul3A_43 : i32 to vector<16xi32>
      %mul3A_45 = arith.muli %get3A_42, %mul3A_44 : vector<16xi32>
      %get3A_46 = arith.constant 0 : i32
      %get3A_47 = arith.index_cast %get3A_46 : i32 to index
      %get3A_48 = arith.constant 0 : index
      %get3A_49 = tpu.vector_load %arg9[%get3A_47, %get3A_48] {strides = array<i32>} : memref<8x128xi32, #tpu.memory_space<vmem>>, vector<1x16xi32>,
      %get3A_50 = vector.shape_cast %get3A_49 : vector<1x16xi32> to vector<16xi32>
      %add3A_51 = arith.addi %mul3A_45, %get3A_50 : vector<16xi32>
      %swap3A = arith.constant 0 : i32
      %swap3A_52 = arith.index_cast %swap3A : i32 to index
      %swap3A_53 = arith.constant 0 : index
      %swap3A_54 = tpu.vector_load %arg9[%swap3A_52, %swap3A_53] {strides = array<i32>} : memref<8x128xi32, #tpu.memory_space<vmem>>, vector<1x16xi32>,
      %swap3A_55 = vector.shape_cast %swap3A_54 : vector<1x16xi32> to vector<16xi32>
      %swap3A_56 = vector.shape_cast %add3A_51 : vector<16xi32> to vector<1x16xi32>
      tpu.vector_store %arg9[%swap3A_52, %swap3A_53], %swap3A_56 {strides = array<i32>} : memref<8x128xi32, #tpu.memory_space<vmem>>, vector<1x16xi32>,
      %get3A_57 = arith.constant 0 : i32
      %get3A_58 = arith.index_cast %get3A_57 : i32 to index
      %get3A_59 = arith.constant 16 : index
      %get3A_60 = tpu.vector_load %arg10[%get3A_58, %get3A_59] {strides = array<i32>} : memref<8x128xi32, #tpu.memory_space<vmem>>, vector<1x16xi32>,
      %get3A_61 = vector.shape_cast %get3A_60 : vector<1x16xi32> to vector<16xi32>
      %mul3A_62 = arith.constant 25 : i32
      %mul3A_63 = vector.broadcast %mul3A_62 : i32 to vector<16xi32>
      %mul3A_64 = arith.muli %get3A_61, %mul3A_63 : vector<16xi32>
      %get3A_65 = arith.constant 0 : i32
      %get3A_66 = arith.index_cast %get3A_65 : i32 to index
      %get3A_67 = arith.constant 16 : index
      %get3A_68 = tpu.vector_load %arg9[%get3A_66, %get3A_67] {strides = array<i32>} : memref<8x128xi32, #tpu.memory_space<vmem>>, vector<1x16xi32>,
      %get3A_69 = vector.shape_cast %get3A_68 : vector<1x16xi32> to vector<16xi32>
      %add3A_70 = arith.addi %mul3A_64, %get3A_69 : vector<16xi32>
      %swap3A_71 = arith.constant 0 : i32
      %swap3A_72 = arith.index_cast %swap3A_71 : i32 to index
      %swap3A_73 = arith.constant 16 : index
      %swap3A_74 = tpu.vector_load %arg9[%swap3A_72, %swap3A_73] {strides = array<i32>} : memref<8x128xi32, #tpu.memory_space<vmem>>, vector<1x16xi32>,
      %swap3A_75 = vector.shape_cast %swap3A_74 : vector<1x16xi32> to vector<16xi32>
      %swap3A_76 = vector.shape_cast %add3A_70 : vector<16xi32> to vector<1x16xi32>
      tpu.vector_store %arg9[%swap3A_72, %swap3A_73], %swap3A_76 {strides = array<i32>} : memref<8x128xi32, #tpu.memory_space<vmem>>, vector<1x16xi32>,
      %get3A_77 = arith.constant 0 : i32
      %get3A_78 = arith.index_cast %get3A_77 : i32 to index
      %get3A_79 = arith.constant 32 : index
      %get3A_80 = tpu.vector_load %arg10[%get3A_78, %get3A_79] {strides = array<i32>} : memref<8x128xi32, #tpu.memory_space<vmem>>, vector<1x16xi32>,
      %get3A_81 = vector.shape_cast %get3A_80 : vector<1x16xi32> to vector<16xi32>
      %mul3A_82 = arith.constant 25 : i32
      %mul3A_83 = vector.broadcast %mul3A_82 : i32 to vector<16xi32>
      %mul3A_84 = arith.muli %get3A_81, %mul3A_83 : vector<16xi32>
      %get3A_85 = arith.constant 0 : i32
      %get3A_86 = arith.index_cast %get3A_85 : i32 to index
      %get3A_87 = arith.constant 32 : index
      %get3A_88 = tpu.vector_load %arg9[%get3A_86, %get3A_87] {strides = array<i32>} : memref<8x128xi32, #tpu.memory_space<vmem>>, vector<1x16xi32>,
      %get3A_89 = vector.shape_cast %get3A_88 : vector<1x16xi32> to vector<16xi32>
      %add3A_90 = arith.addi %mul3A_84, %get3A_89 : vector<16xi32>
      %swap3A_91 = arith.constant 0 : i32
      %swap3A_92 = arith.index_cast %swap3A_91 : i32 to index
      %swap3A_93 = arith.constant 32 : index
      %swap3A_94 = tpu.vector_load %arg9[%swap3A_92, %swap3A_93] {strides = array<i32>} : memref<8x128xi32, #tpu.memory_space<vmem>>, vector<1x16xi32>,
      %swap3A_95 = vector.shape_cast %swap3A_94 : vector<1x16xi32> to vector<16xi32>
      %swap3A_96 = vector.shape_cast %add3A_90 : vector<16xi32> to vector<1x16xi32>
      tpu.vector_store %arg9[%swap3A_92, %swap3A_93], %swap3A_96 {strides = array<i32>} : memref<8x128xi32, #tpu.memory_space<vmem>>, vector<1x16xi32>,
      %get3A_97 = arith.constant 0 : i32
      %get3A_98 = arith.index_cast %get3A_97 : i32 to index
      %get3A_99 = arith.constant 48 : index
      %get3A_100 = tpu.vector_load %arg10[%get3A_98, %get3A_99] {strides = array<i32>} : memref<8x128xi32, #tpu.memory_space<vmem>>, vector<1x16xi32>,
      %get3A_101 = vector.shape_cast %get3A_100 : vector<1x16xi32> to vector<16xi32>
      %mul3A_102 = arith.constant 25 : i32
      %mul3A_103 = vector.broadcast %mul3A_102 : i32 to vector<16xi32>
      %mul3A_104 = arith.muli %get3A_101, %mul3A_103 : vector<16xi32>
      %get3A_105 = arith.constant 0 : i32
      %get3A_106 = arith.index_cast %get3A_105 : i32 to index
      %get3A_107 = arith.constant 48 : index
      %get3A_108 = tpu.vector_load %arg9[%get3A_106, %get3A_107] {strides = array<i32>} : memref<8x128xi32, #tpu.memory_space<vmem>>, vector<1x16xi32>,
      %get3A_109 = vector.shape_cast %get3A_108 : vector<1x16xi32> to vector<16xi32>
      %add3A_110 = arith.addi %mul3A_104, %get3A_109 : vector<16xi32>
      %swap3A_111 = arith.constant 0 : i32
      %swap3A_112 = arith.index_cast %swap3A_111 : i32 to index
      %swap3A_113 = arith.constant 48 : index
      %swap3A_114 = tpu.vector_load %arg9[%swap3A_112, %swap3A_113] {strides = array<i32>} : memref<8x128xi32, #tpu.memory_space<vmem>>, vector<1x16xi32>,
      %swap3A_115 = vector.shape_cast %swap3A_114 : vector<1x16xi32> to vector<16xi32>
      %swap3A_116 = vector.shape_cast %add3A_110 : vector<16xi32> to vector<1x16xi32>
      tpu.vector_store %arg9[%swap3A_112, %swap3A_113], %swap3A_116 {strides = array<i32>} : memref<8x128xi32, #tpu.memory_space<vmem>>, vector<1x16xi32>,
      %get3A_117 = arith.constant 0 : i32
      %get3A_118 = arith.index_cast %get3A_117 : i32 to index
      %get3A_119 = arith.constant 64 : index
      %get3A_120 = tpu.vector_load %arg10[%get3A_118, %get3A_119] {strides = array<i32>} : memref<8x128xi32, #tpu.memory_space<vmem>>, vector<1x16xi32>,
      %get3A_121 = vector.shape_cast %get3A_120 : vector<1x16xi32> to vector<16xi32>
      %mul3A_122 = arith.constant 25 : i32
      %mul3A_123 = vector.broadcast %mul3A_122 : i32 to vector<16xi32>
      %mul3A_124 = arith.muli %get3A_121, %mul3A_123 : vector<16xi32>
      %get3A_125 = arith.constant 0 : i32
      %get3A_126 = arith.index_cast %get3A_125 : i32 to index
      %get3A_127 = arith.constant 64 : index
      %get3A_128 = tpu.vector_load %arg9[%get3A_126, %get3A_127] {strides = array<i32>} : memref<8x128xi32, #tpu.memory_space<vmem>>, vector<1x16xi32>,
      %get3A_129 = vector.shape_cast %get3A_128 : vector<1x16xi32> to vector<16xi32>
      %add3A_130 = arith.addi %mul3A_124, %get3A_129 : vector<16xi32>
      %swap3A_131 = arith.constant 0 : i32
      %swap3A_132 = arith.index_cast %swap3A_131 : i32 to index
      %swap3A_133 = arith.constant 64 : index
      %swap3A_134 = tpu.vector_load %arg9[%swap3A_132, %swap3A_133] {strides = array<i32>} : memref<8x128xi32, #tpu.memory_space<vmem>>, vector<1x16xi32>,
      %swap3A_135 = vector.shape_cast %swap3A_134 : vector<1x16xi32> to vector<16xi32>
      %swap3A_136 = vector.shape_cast %add3A_130 : vector<16xi32> to vector<1x16xi32>
      tpu.vector_store %arg9[%swap3A_132, %swap3A_133], %swap3A_136 {strides = array<i32>} : memref<8x128xi32, #tpu.memory_space<vmem>>, vector<1x16xi32>,
      %get3A_137 = arith.constant 0 : i32
      %get3A_138 = arith.index_cast %get3A_137 : i32 to index
      %get3A_139 = arith.constant 80 : index
      %get3A_140 = tpu.vector_load %arg10[%get3A_138, %get3A_139] {strides = array<i32>} : memref<8x128xi32, #tpu.memory_space<vmem>>, vector<1x16xi32>,
      %get3A_141 = vector.shape_cast %get3A_140 : vector<1x16xi32> to vector<16xi32>
      %mul3A_142 = arith.constant 25 : i32
      %mul3A_143 = vector.broadcast %mul3A_142 : i32 to vector<16xi32>
      %mul3A_144 = arith.muli %get3A_141, %mul3A_143 : vector<16xi32>
      %get3A_145 = arith.constant 0 : i32
      %get3A_146 = arith.index_cast %get3A_145 : i32 to index
      %get3A_147 = arith.constant 80 : index
      %get3A_148 = tpu.vector_load %arg9[%get3A_146, %get3A_147] {strides = array<i32>} : memref<8x128xi32, #tpu.memory_space<vmem>>, vector<1x16xi32>,
      %get3A_149 = vector.shape_cast %get3A_148 : vector<1x16xi32> to vector<16xi32>
      %add3A_150 = arith.addi %mul3A_144, %get3A_149 : vector<16xi32>
      %swap3A_151 = arith.constant 0 : i32
      %swap3A_152 = arith.index_cast %swap3A_151 : i32 to index
      %swap3A_153 = arith.constant 80 : index
      %swap3A_154 = tpu.vector_load %arg9[%swap3A_152, %swap3A_153] {strides = array<i32>} : memref<8x128xi32, #tpu.memory_space<vmem>>, vector<1x16xi32>,
      %swap3A_155 = vector.shape_cast %swap3A_154 : vector<1x16xi32> to vector<16xi32>
      %swap3A_156 = vector.shape_cast %add3A_150 : vector<16xi32> to vector<1x16xi32>
      tpu.vector_store %arg9[%swap3A_152, %swap3A_153], %swap3A_156 {strides = array<i32>} : memref<8x128xi32, #tpu.memory_space<vmem>>, vector<1x16xi32>,
      %get3A_157 = arith.constant 0 : i32
      %get3A_158 = arith.index_cast %get3A_157 : i32 to index
      %get3A_159 = arith.constant 96 : index
      %get3A_160 = tpu.vector_load %arg10[%get3A_158, %get3A_159] {strides = array<i32>} : memref<8x128xi32, #tpu.memory_space<vmem>>, vector<1x16xi32>,
      %get3A_161 = vector.shape_cast %get3A_160 : vector<1x16xi32> to vector<16xi32>
      %mul3A_162 = arith.constant 25 : i32
      %mul3A_163 = vector.broadcast %mul3A_162 : i32 to vector<16xi32>
      %mul3A_164 = arith.muli %get3A_161, %mul3A_163 : vector<16xi32>
      %get3A_165 = arith.constant 0 : i32
      %get3A_166 = arith.index_cast %get3A_165 : i32 to index
      %get3A_167 = arith.constant 96 : index
      %get3A_168 = tpu.vector_load %arg9[%get3A_166, %get3A_167] {strides = array<i32>} : memref<8x128xi32, #tpu.memory_space<vmem>>, vector<1x16xi32>,
      %get3A_169 = vector.shape_cast %get3A_168 : vector<1x16xi32> to vector<16xi32>
      %add3A_170 = arith.addi %mul3A_164, %get3A_169 : vector<16xi32>
      %swap3A_171 = arith.constant 0 : i32
      %swap3A_172 = arith.index_cast %swap3A_171 : i32 to index
      %swap3A_173 = arith.constant 96 : index
      %swap3A_174 = tpu.vector_load %arg9[%swap3A_172, %swap3A_173] {strides = array<i32>} : memref<8x128xi32, #tpu.memory_space<vmem>>, vector<1x16xi32>,
      %swap3A_175 = vector.shape_cast %swap3A_174 : vector<1x16xi32> to vector<16xi32>
      %swap3A_176 = vector.shape_cast %add3A_170 : vector<16xi32> to vector<1x16xi32>
      tpu.vector_store %arg9[%swap3A_172, %swap3A_173], %swap3A_176 {strides = array<i32>} : memref<8x128xi32, #tpu.memory_space<vmem>>, vector<1x16xi32>,
      %get3A_177 = arith.constant 0 : i32
      %get3A_178 = arith.index_cast %get3A_177 : i32 to index
      %get3A_179 = arith.constant 112 : index
      %get3A_180 = tpu.vector_load %arg10[%get3A_178, %get3A_179] {strides = array<i32>} : memref<8x128xi32, #tpu.memory_space<vmem>>, vector<1x16xi32>,
      %get3A_181 = vector.shape_cast %get3A_180 : vector<1x16xi32> to vector<16xi32>
      %mul3A_182 = arith.constant 25 : i32
      %mul3A_183 = vector.broadcast %mul3A_182 : i32 to vector<16xi32>
      %mul3A_184 = arith.muli %get3A_181, %mul3A_183 : vector<16xi32>
      %get3A_185 = arith.constant 0 : i32
      %get3A_186 = arith.index_cast %get3A_185 : i32 to index
      %get3A_187 = arith.constant 112 : index
      %get3A_188 = tpu.vector_load %arg9[%get3A_186, %get3A_187] {strides = array<i32>} : memref<8x128xi32, #tpu.memory_space<vmem>>, vector<1x16xi32>,
      %get3A_189 = vector.shape_cast %get3A_188 : vector<1x16xi32> to vector<16xi32>
      %add3A_190 = arith.addi %mul3A_184, %get3A_189 : vector<16xi32>
      %swap3A_191 = arith.constant 0 : i32
      %swap3A_192 = arith.index_cast %swap3A_191 : i32 to index
      %swap3A_193 = arith.constant 112 : index
      %swap3A_194 = tpu.vector_load %arg9[%swap3A_192, %swap3A_193] {strides = array<i32>} : memref<8x128xi32, #tpu.memory_space<vmem>>, vector<1x16xi32>,
      %swap3A_195 = vector.shape_cast %swap3A_194 : vector<1x16xi32> to vector<16xi32>
      %swap3A_196 = vector.shape_cast %add3A_190 : vector<16xi32> to vector<1x16xi32>
      tpu.vector_store %arg9[%swap3A_192, %swap3A_193], %swap3A_196 {strides = array<i32>} : memref<8x128xi32, #tpu.memory_space<vmem>>, vector<1x16xi32>,
      %get3A_197 = arith.constant 1 : i32
      %get3A_198 = arith.index_cast %get3A_197 : i32 to index
      %get3A_199 = arith.constant 0 : index
      %get3A_200 = tpu.vector_load %arg10[%get3A_198, %get3A_199] {strides = array<i32>} : memref<8x128xi32, #tpu.memory_space<vmem>>, vector<1x16xi32>,
      %get3A_201 = vector.shape_cast %get3A_200 : vector<1x16xi32> to vector<16xi32>
      %mul3A_202 = arith.constant 25 : i32
      %mul3A_203 = vector.broadcast %mul3A_202 : i32 to vector<16xi32>
      %mul3A_204 = arith.muli %get3A_201, %mul3A_203 : vector<16xi32>
      %get3A_205 = arith.constant 1 : i32
      %get3A_206 = arith.index_cast %get3A_205 : i32 to index
      %get3A_207 = arith.constant 0 : index
      %get3A_208 = tpu.vector_load %arg9[%get3A_206, %get3A_207] {strides = array<i32>} : memref<8x128xi32, #tpu.memory_space<vmem>>, vector<1x16xi32>,
      %get3A_209 = vector.shape_cast %get3A_208 : vector<1x16xi32> to vector<16xi32>
      %add3A_210 = arith.addi %mul3A_204, %get3A_209 : vector<16xi32>
      %swap3A_211 = arith.constant 1 : i32
      %swap3A_212 = arith.index_cast %swap3A_211 : i32 to index
      %swap3A_213 = arith.constant 0 : index
      %swap3A_214 = tpu.vector_load %arg9[%swap3A_212, %swap3A_213] {strides = array<i32>} : memref<8x128xi32, #tpu.memory_space<vmem>>, vector<1x16xi32>,
      %swap3A_215 = vector.shape_cast %swap3A_214 : vector<1x16xi32> to vector<16xi32>
      %swap3A_216 = vector.shape_cast %add3A_210 : vector<16xi32> to vector<1x16xi32>
      tpu.vector_store %arg9[%swap3A_212, %swap3A_213], %swap3A_216 {strides = array<i32>} : memref<8x128xi32, #tpu.memory_space<vmem>>, vector<1x16xi32>,
      %get3A_217 = arith.constant 1 : i32
      %get3A_218 = arith.index_cast %get3A_217 : i32 to index
      %get3A_219 = arith.constant 16 : index
      %get3A_220 = tpu.vector_load %arg10[%get3A_218, %get3A_219] {strides = array<i32>} : memref<8x128xi32, #tpu.memory_space<vmem>>, vector<1x16xi32>,
      %get3A_221 = vector.shape_cast %get3A_220 : vector<1x16xi32> to vector<16xi32>
      %mul3A_222 = arith.constant 25 : i32
      %mul3A_223 = vector.broadcast %mul3A_222 : i32 to vector<16xi32>
      %mul3A_224 = arith.muli %get3A_221, %mul3A_223 : vector<16xi32>
      %get3A_225 = arith.constant 1 : i32
      %get3A_226 = arith.index_cast %get3A_225 : i32 to index
      %get3A_227 = arith.constant 16 : index
      %get3A_228 = tpu.vector_load %arg9[%get3A_226, %get3A_227] {strides = array<i32>} : memref<8x128xi32, #tpu.memory_space<vmem>>, vector<1x16xi32>,
      %get3A_229 = vector.shape_cast %get3A_228 : vector<1x16xi32> to vector<16xi32>
      %add3A_230 = arith.addi %mul3A_224, %get3A_229 : vector<16xi32>
      %swap3A_231 = arith.constant 1 : i32
      %swap3A_232 = arith.index_cast %swap3A_231 : i32 to index
      %swap3A_233 = arith.constant 16 : index
      %swap3A_234 = tpu.vector_load %arg9[%swap3A_232, %swap3A_233] {strides = array<i32>} : memref<8x128xi32, #tpu.memory_space<vmem>>, vector<1x16xi32>,
      %swap3A_235 = vector.shape_cast %swap3A_234 : vector<1x16xi32> to vector<16xi32>
      %swap3A_236 = vector.shape_cast %add3A_230 : vector<16xi32> to vector<1x16xi32>
      tpu.vector_store %arg9[%swap3A_232, %swap3A_233], %swap3A_236 {strides = array<i32>} : memref<8x128xi32, #tpu.memory_space<vmem>>, vector<1x16xi32>,
      %get3A_237 = arith.constant 1 : i32
      %get3A_238 = arith.index_cast %get3A_237 : i32 to index
      %get3A_239 = arith.constant 32 : index
      %get3A_240 = tpu.vector_load %arg10[%get3A_238, %get3A_239] {strides = array<i32>} : memref<8x128xi32, #tpu.memory_space<vmem>>, vector<1x16xi32>,
      %get3A_241 = vector.shape_cast %get3A_240 : vector<1x16xi32> to vector<16xi32>
      %mul3A_242 = arith.constant 25 : i32
      %mul3A_243 = vector.broadcast %mul3A_242 : i32 to vector<16xi32>
      %mul3A_244 = arith.muli %get3A_241, %mul3A_243 : vector<16xi32>
      %get3A_245 = arith.constant 1 : i32
      %get3A_246 = arith.index_cast %get3A_245 : i32 to index
      %get3A_247 = arith.constant 32 : index
      %get3A_248 = tpu.vector_load %arg9[%get3A_246, %get3A_247] {strides = array<i32>} : memref<8x128xi32, #tpu.memory_space<vmem>>, vector<1x16xi32>,
      %get3A_249 = vector.shape_cast %get3A_248 : vector<1x16xi32> to vector<16xi32>
      %add3A_250 = arith.addi %mul3A_244, %get3A_249 : vector<16xi32>
      %swap3A_251 = arith.constant 1 : i32
      %swap3A_252 = arith.index_cast %swap3A_251 : i32 to index
      %swap3A_253 = arith.constant 32 : index
      %swap3A_254 = tpu.vector_load %arg9[%swap3A_252, %swap3A_253] {strides = array<i32>} : memref<8x128xi32, #tpu.memory_space<vmem>>, vector<1x16xi32>,
      %swap3A_255 = vector.shape_cast %swap3A_254 : vector<1x16xi32> to vector<16xi32>
      %swap3A_256 = vector.shape_cast %add3A_250 : vector<16xi32> to vector<1x16xi32>
      tpu.vector_store %arg9[%swap3A_252, %swap3A_253], %swap3A_256 {strides = array<i32>} : memref<8x128xi32, #tpu.memory_space<vmem>>, vector<1x16xi32>,
      %get3A_257 = arith.constant 1 : i32
      %get3A_258 = arith.index_cast %get3A_257 : i32 to index
      %get3A_259 = arith.constant 48 : index
      %get3A_260 = tpu.vector_load %arg10[%get3A_258, %get3A_259] {strides = array<i32>} : memref<8x128xi32, #tpu.memory_space<vmem>>, vector<1x16xi32>,
      %get3A_261 = vector.shape_cast %get3A_260 : vector<1x16xi32> to vector<16xi32>
      %mul3A_262 = arith.constant 25 : i32
      %mul3A_263 = vector.broadcast %mul3A_262 : i32 to vector<16xi32>
      %mul3A_264 = arith.muli %get3A_261, %mul3A_263 : vector<16xi32>
      %get3A_265 = arith.constant 1 : i32
      %get3A_266 = arith.index_cast %get3A_265 : i32 to index
      %get3A_267 = arith.constant 48 : index
      %get3A_268 = tpu.vector_load %arg9[%get3A_266, %get3A_267] {strides = array<i32>} : memref<8x128xi32, #tpu.memory_space<vmem>>, vector<1x16xi32>,
      %get3A_269 = vector.shape_cast %get3A_268 : vector<1x16xi32> to vector<16xi32>
      %add3A_270 = arith.addi %mul3A_264, %get3A_269 : vector<16xi32>
      %swap3A_271 = arith.constant 1 : i32
      %swap3A_272 = arith.index_cast %swap3A_271 : i32 to index
      %swap3A_273 = arith.constant 48 : index
      %swap3A_274 = tpu.vector_load %arg9[%swap3A_272, %swap3A_273] {strides = array<i32>} : memref<8x128xi32, #tpu.memory_space<vmem>>, vector<1x16xi32>,
      %swap3A_275 = vector.shape_cast %swap3A_274 : vector<1x16xi32> to vector<16xi32>
      %swap3A_276 = vector.shape_cast %add3A_270 : vector<16xi32> to vector<1x16xi32>
      tpu.vector_store %arg9[%swap3A_272, %swap3A_273], %swap3A_276 {strides = array<i32>} : memref<8x128xi32, #tpu.memory_space<vmem>>, vector<1x16xi32>,
      %get3A_277 = arith.constant 1 : i32
      %get3A_278 = arith.index_cast %get3A_277 : i32 to index
      %get3A_279 = arith.constant 64 : index
      %get3A_280 = tpu.vector_load %arg10[%get3A_278, %get3A_279] {strides = array<i32>} : memref<8x128xi32, #tpu.memory_space<vmem>>, vector<1x16xi32>,
      %get3A_281 = vector.shape_cast %get3A_280 : vector<1x16xi32> to vector<16xi32>
      %mul3A_282 = arith.constant 25 : i32
      %mul3A_283 = vector.broadcast %mul3A_282 : i32 to vector<16xi32>
      %mul3A_284 = arith.muli %get3A_281, %mul3A_283 : vector<16xi32>
      %get3A_285 = arith.constant 1 : i32
      %get3A_286 = arith.index_cast %get3A_285 : i32 to index
      %get3A_287 = arith.constant 64 : index
      %get3A_288 = tpu.vector_load %arg9[%get3A_286, %get3A_287] {strides = array<i32>} : memref<8x128xi32, #tpu.memory_space<vmem>>, vector<1x16xi32>,
      %get3A_289 = vector.shape_cast %get3A_288 : vector<1x16xi32> to vector<16xi32>
      %add3A_290 = arith.addi %mul3A_284, %get3A_289 : vector<16xi32>
      %swap3A_291 = arith.constant 1 : i32
      %swap3A_292 = arith.index_cast %swap3A_291 : i32 to index
      %swap3A_293 = arith.constant 64 : index
      %swap3A_294 = tpu.vector_load %arg9[%swap3A_292, %swap3A_293] {strides = array<i32>} : memref<8x128xi32, #tpu.memory_space<vmem>>, vector<1x16xi32>,
      %swap3A_295 = vector.shape_cast %swap3A_294 : vector<1x16xi32> to vector<16xi32>
      %swap3A_296 = vector.shape_cast %add3A_290 : vector<16xi32> to vector<1x16xi32>
      tpu.vector_store %arg9[%swap3A_292, %swap3A_293], %swap3A_296 {strides = array<i32>} : memref<8x128xi32, #tpu.memory_space<vmem>>, vector<1x16xi32>,
      %get3A_297 = arith.constant 1 : i32
      %get3A_298 = arith.index_cast %get3A_297 : i32 to index
      %get3A_299 = arith.constant 80 : index
      %get3A_300 = tpu.vector_load %arg10[%get3A_298, %get3A_299] {strides = array<i32>} : memref<8x128xi32, #tpu.memory_space<vmem>>, vector<1x16xi32>,
      %get3A_301 = vector.shape_cast %get3A_300 : vector<1x16xi32> to vector<16xi32>
      %mul3A_302 = arith.constant 25 : i32
      %mul3A_303 = vector.broadcast %mul3A_302 : i32 to vector<16xi32>
      %mul3A_304 = arith.muli %get3A_301, %mul3A_303 : vector<16xi32>
      %get3A_305 = arith.constant 1 : i32
      %get3A_306 = arith.index_cast %get3A_305 : i32 to index
      %get3A_307 = arith.constant 80 : index
      %get3A_308 = tpu.vector_load %arg9[%get3A_306, %get3A_307] {strides = array<i32>} : memref<8x128xi32, #tpu.memory_space<vmem>>, vector<1x16xi32>,
      %get3A_309 = vector.shape_cast %get3A_308 : vector<1x16xi32> to vector<16xi32>
      %add3A_310 = arith.addi %mul3A_304, %get3A_309 : vector<16xi32>
      %swap3A_311 = arith.constant 1 : i32
      %swap3A_312 = arith.index_cast %swap3A_311 : i32 to index
      %swap3A_313 = arith.constant 80 : index
      %swap3A_314 = tpu.vector_load %arg9[%swap3A_312, %swap3A_313] {strides = array<i32>} : memref<8x128xi32, #tpu.memory_space<vmem>>, vector<1x16xi32>,
      %swap3A_315 = vector.shape_cast %swap3A_314 : vector<1x16xi32> to vector<16xi32>
      %swap3A_316 = vector.shape_cast %add3A_310 : vector<16xi32> to vector<1x16xi32>
      tpu.vector_store %arg9[%swap3A_312, %swap3A_313], %swap3A_316 {strides = array<i32>} : memref<8x128xi32, #tpu.memory_space<vmem>>, vector<1x16xi32>,
      %get3A_317 = arith.constant 1 : i32
      %get3A_318 = arith.index_cast %get3A_317 : i32 to index
      %get3A_319 = arith.constant 96 : index
      %get3A_320 = tpu.vector_load %arg10[%get3A_318, %get3A_319] {strides = array<i32>} : memref<8x128xi32, #tpu.memory_space<vmem>>, vector<1x16xi32>,
      %get3A_321 = vector.shape_cast %get3A_320 : vector<1x16xi32> to vector<16xi32>
      %mul3A_322 = arith.constant 25 : i32
      %mul3A_323 = vector.broadcast %mul3A_322 : i32 to vector<16xi32>
      %mul3A_324 = arith.muli %get3A_321, %mul3A_323 : vector<16xi32>
      %get3A_325 = arith.constant 1 : i32
      %get3A_326 = arith.index_cast %get3A_325 : i32 to index
      %get3A_327 = arith.constant 96 : index
      %get3A_328 = tpu.vector_load %arg9[%get3A_326, %get3A_327] {strides = array<i32>} : memref<8x128xi32, #tpu.memory_space<vmem>>, vector<1x16xi32>,
      %get3A_329 = vector.shape_cast %get3A_328 : vector<1x16xi32> to vector<16xi32>
      %add3A_330 = arith.addi %mul3A_324, %get3A_329 : vector<16xi32>
      %swap3A_331 = arith.constant 1 : i32
      %swap3A_332 = arith.index_cast %swap3A_331 : i32 to index
      %swap3A_333 = arith.constant 96 : index
      %swap3A_334 = tpu.vector_load %arg9[%swap3A_332, %swap3A_333] {strides = array<i32>} : memref<8x128xi32, #tpu.memory_space<vmem>>, vector<1x16xi32>,
      %swap3A_335 = vector.shape_cast %swap3A_334 : vector<1x16xi32> to vector<16xi32>
      %swap3A_336 = vector.shape_cast %add3A_330 : vector<16xi32> to vector<1x16xi32>
      tpu.vector_store %arg9[%swap3A_332, %swap3A_333], %swap3A_336 {strides = array<i32>} : memref<8x128xi32, #tpu.memory_space<vmem>>, vector<1x16xi32>,
      %get3A_337 = arith.constant 1 : i32
      %get3A_338 = arith.index_cast %get3A_337 : i32 to index
      %get3A_339 = arith.constant 112 : index
      %get3A_340 = tpu.vector_load %arg10[%get3A_338, %get3A_339] {strides = array<i32>} : memref<8x128xi32, #tpu.memory_space<vmem>>, vector<1x16xi32>,
      %get3A_341 = vector.shape_cast %get3A_340 : vector<1x16xi32> to vector<16xi32>
      %mul3A_342 = arith.constant 25 : i32
      %mul3A_343 = vector.broadcast %mul3A_342 : i32 to vector<16xi32>
      %mul3A_344 = arith.muli %get3A_341, %mul3A_343 : vector<16xi32>
      %get3A_345 = arith.constant 1 : i32
      %get3A_346 = arith.index_cast %get3A_345 : i32 to index
      %get3A_347 = arith.constant 112 : index
      %get3A_348 = tpu.vector_load %arg9[%get3A_346, %get3A_347] {strides = array<i32>} : memref<8x128xi32, #tpu.memory_space<vmem>>, vector<1x16xi32>,
      %get3A_349 = vector.shape_cast %get3A_348 : vector<1x16xi32> to vector<16xi32>
      %add3A_350 = arith.addi %mul3A_344, %get3A_349 : vector<16xi32>
      %swap3A_351 = arith.constant 1 : i32
      %swap3A_352 = arith.index_cast %swap3A_351 : i32 to index
      %swap3A_353 = arith.constant 112 : index
      %swap3A_354 = tpu.vector_load %arg9[%swap3A_352, %swap3A_353] {strides = array<i32>} : memref<8x128xi32, #tpu.memory_space<vmem>>, vector<1x16xi32>,
      %swap3A_355 = vector.shape_cast %swap3A_354 : vector<1x16xi32> to vector<16xi32>
      %swap3A_356 = vector.shape_cast %add3A_350 : vector<16xi32> to vector<1x16xi32>
      tpu.vector_store %arg9[%swap3A_352, %swap3A_353], %swap3A_356 {strides = array<i32>} : memref<8x128xi32, #tpu.memory_space<vmem>>, vector<1x16xi32>,
      %get3A_357 = arith.constant 2 : i32
      %get3A_358 = arith.index_cast %get3A_357 : i32 to index
      %get3A_359 = arith.constant 0 : index
      %get3A_360 = tpu.vector_load %arg10[%get3A_358, %get3A_359] {strides = array<i32>} : memref<8x128xi32, #tpu.memory_space<vmem>>, vector<1x16xi32>,
      %get3A_361 = vector.shape_cast %get3A_360 : vector<1x16xi32> to vector<16xi32>
      %mul3A_362 = arith.constant 25 : i32
      %mul3A_363 = vector.broadcast %mul3A_362 : i32 to vector<16xi32>
      %mul3A_364 = arith.muli %get3A_361, %mul3A_363 : vector<16xi32>
      %get3A_365 = arith.constant 2 : i32
      %get3A_366 = arith.index_cast %get3A_365 : i32 to index
      %get3A_367 = arith.constant 0 : index
      %get3A_368 = tpu.vector_load %arg9[%get3A_366, %get3A_367] {strides = array<i32>} : memref<8x128xi32, #tpu.memory_space<vmem>>, vector<1x16xi32>,
      %get3A_369 = vector.shape_cast %get3A_368 : vector<1x16xi32> to vector<16xi32>
      %add3A_370 = arith.addi %mul3A_364, %get3A_369 : vector<16xi32>
      %swap3A_371 = arith.constant 2 : i32
      %swap3A_372 = arith.index_cast %swap3A_371 : i32 to index
      %swap3A_373 = arith.constant 0 : index
      %swap3A_374 = tpu.vector_load %arg9[%swap3A_372, %swap3A_373] {strides = array<i32>} : memref<8x128xi32, #tpu.memory_space<vmem>>, vector<1x16xi32>,
      %swap3A_375 = vector.shape_cast %swap3A_374 : vector<1x16xi32> to vector<16xi32>
      %swap3A_376 = vector.shape_cast %add3A_370 : vector<16xi32> to vector<1x16xi32>
      tpu.vector_store %arg9[%swap3A_372, %swap3A_373], %swap3A_376 {strides = array<i32>} : memref<8x128xi32, #tpu.memory_space<vmem>>, vector<1x16xi32>,
      %get3A_377 = arith.constant 2 : i32
      %get3A_378 = arith.index_cast %get3A_377 : i32 to index
      %get3A_379 = arith.constant 16 : index
      %get3A_380 = tpu.vector_load %arg10[%get3A_378, %get3A_379] {strides = array<i32>} : memref<8x128xi32, #tpu.memory_space<vmem>>, vector<1x16xi32>,
      %get3A_381 = vector.shape_cast %get3A_380 : vector<1x16xi32> to vector<16xi32>
      %mul3A_382 = arith.constant 25 : i32
      %mul3A_383 = vector.broadcast %mul3A_382 : i32 to vector<16xi32>
      %mul3A_384 = arith.muli %get3A_381, %mul3A_383 : vector<16xi32>
      %get3A_385 = arith.constant 2 : i32
      %get3A_386 = arith.index_cast %get3A_385 : i32 to index
      %get3A_387 = arith.constant 16 : index
      %get3A_388 = tpu.vector_load %arg9[%get3A_386, %get3A_387] {strides = array<i32>} : memref<8x128xi32, #tpu.memory_space<vmem>>, vector<1x16xi32>,
      %get3A_389 = vector.shape_cast %get3A_388 : vector<1x16xi32> to vector<16xi32>
      %add3A_390 = arith.addi %mul3A_384, %get3A_389 : vector<16xi32>
      %swap3A_391 = arith.constant 2 : i32
      %swap3A_392 = arith.index_cast %swap3A_391 : i32 to index
      %swap3A_393 = arith.constant 16 : index
      %swap3A_394 = tpu.vector_load %arg9[%swap3A_392, %swap3A_393] {strides = array<i32>} : memref<8x128xi32, #tpu.memory_space<vmem>>, vector<1x16xi32>,
      %swap3A_395 = vector.shape_cast %swap3A_394 : vector<1x16xi32> to vector<16xi32>
      %swap3A_396 = vector.shape_cast %add3A_390 : vector<16xi32> to vector<1x16xi32>
      tpu.vector_store %arg9[%swap3A_392, %swap3A_393], %swap3A_396 {strides = array<i32>} : memref<8x128xi32, #tpu.memory_space<vmem>>, vector<1x16xi32>,
      %get3A_397 = arith.constant 2 : i32
      %get3A_398 = arith.index_cast %get3A_397 : i32 to index
      %get3A_399 = arith.constant 32 : index
      %get3A_400 = tpu.vector_load %arg10[%get3A_398, %get3A_399] {strides = array<i32>} : memref<8x128xi32, #tpu.memory_space<vmem>>, vector<1x16xi32>,
      %get3A_401 = vector.shape_cast %get3A_400 : vector<1x16xi32> to vector<16xi32>
      %mul3A_402 = arith.constant 25 : i32
      %mul3A_403 = vector.broadcast %mul3A_402 : i32 to vector<16xi32>
      %mul3A_404 = arith.muli %get3A_401, %mul3A_403 : vector<16xi32>
      %get3A_405 = arith.constant 2 : i32
      %get3A_406 = arith.index_cast %get3A_405 : i32 to index
      %get3A_407 = arith.constant 32 : index
      %get3A_408 = tpu.vector_load %arg9[%get3A_406, %get3A_407] {strides = array<i32>} : memref<8x128xi32, #tpu.memory_space<vmem>>, vector<1x16xi32>,
      %get3A_409 = vector.shape_cast %get3A_408 : vector<1x16xi32> to vector<16xi32>
      %add3A_410 = arith.addi %mul3A_404, %get3A_409 : vector<16xi32>
      %swap3A_411 = arith.constant 2 : i32
      %swap3A_412 = arith.index_cast %swap3A_411 : i32 to index
      %swap3A_413 = arith.constant 32 : index
      %swap3A_414 = tpu.vector_load %arg9[%swap3A_412, %swap3A_413] {strides = array<i32>} : memref<8x128xi32, #tpu.memory_space<vmem>>, vector<1x16xi32>,
      %swap3A_415 = vector.shape_cast %swap3A_414 : vector<1x16xi32> to vector<16xi32>
      %swap3A_416 = vector.shape_cast %add3A_410 : vector<16xi32> to vector<1x16xi32>
      tpu.vector_store %arg9[%swap3A_412, %swap3A_413], %swap3A_416 {strides = array<i32>} : memref<8x128xi32, #tpu.memory_space<vmem>>, vector<1x16xi32>,
      %get3A_417 = arith.constant 2 : i32
      %get3A_418 = arith.index_cast %get3A_417 : i32 to index
      %get3A_419 = arith.constant 48 : index
      %get3A_420 = tpu.vector_load %arg10[%get3A_418, %get3A_419] {strides = array<i32>} : memref<8x128xi32, #tpu.memory_space<vmem>>, vector<1x16xi32>,
      %get3A_421 = vector.shape_cast %get3A_420 : vector<1x16xi32> to vector<16xi32>
      %mul3A_422 = arith.constant 25 : i32
      %mul3A_423 = vector.broadcast %mul3A_422 : i32 to vector<16xi32>
      %mul3A_424 = arith.muli %get3A_421, %mul3A_423 : vector<16xi32>
      %get3A_425 = arith.constant 2 : i32
      %get3A_426 = arith.index_cast %get3A_425 : i32 to index
      %get3A_427 = arith.constant 48 : index
      %get3A_428 = tpu.vector_load %arg9[%get3A_426, %get3A_427] {strides = array<i32>} : memref<8x128xi32, #tpu.memory_space<vmem>>, vector<1x16xi32>,
      %get3A_429 = vector.shape_cast %get3A_428 : vector<1x16xi32> to vector<16xi32>
      %add3A_430 = arith.addi %mul3A_424, %get3A_429 : vector<16xi32>
      %swap3A_431 = arith.constant 2 : i32
      %swap3A_432 = arith.index_cast %swap3A_431 : i32 to index
      %swap3A_433 = arith.constant 48 : index
      %swap3A_434 = tpu.vector_load %arg9[%swap3A_432, %swap3A_433] {strides = array<i32>} : memref<8x128xi32, #tpu.memory_space<vmem>>, vector<1x16xi32>,
      %swap3A_435 = vector.shape_cast %swap3A_434 : vector<1x16xi32> to vector<16xi32>
      %swap3A_436 = vector.shape_cast %add3A_430 : vector<16xi32> to vector<1x16xi32>
      tpu.vector_store %arg9[%swap3A_432, %swap3A_433], %swap3A_436 {strides = array<i32>} : memref<8x128xi32, #tpu.memory_space<vmem>>, vector<1x16xi32>,
      %get3A_437 = arith.constant 2 : i32
      %get3A_438 = arith.index_cast %get3A_437 : i32 to index
      %get3A_439 = arith.constant 64 : index
      %get3A_440 = tpu.vector_load %arg10[%get3A_438, %get3A_439] {strides = array<i32>} : memref<8x128xi32, #tpu.memory_space<vmem>>, vector<1x16xi32>,
      %get3A_441 = vector.shape_cast %get3A_440 : vector<1x16xi32> to vector<16xi32>
      %mul3A_442 = arith.constant 25 : i32
      %mul3A_443 = vector.broadcast %mul3A_442 : i32 to vector<16xi32>
      %mul3A_444 = arith.muli %get3A_441, %mul3A_443 : vector<16xi32>
      %get3A_445 = arith.constant 2 : i32
      %get3A_446 = arith.index_cast %get3A_445 : i32 to index
      %get3A_447 = arith.constant 64 : index
      %get3A_448 = tpu.vector_load %arg9[%get3A_446, %get3A_447] {strides = array<i32>} : memref<8x128xi32, #tpu.memory_space<vmem>>, vector<1x16xi32>,
      %get3A_449 = vector.shape_cast %get3A_448 : vector<1x16xi32> to vector<16xi32>
      %add3A_450 = arith.addi %mul3A_444, %get3A_449 : vector<16xi32>
      %swap3A_451 = arith.constant 2 : i32
      %swap3A_452 = arith.index_cast %swap3A_451 : i32 to index
      %swap3A_453 = arith.constant 64 : index
      %swap3A_454 = tpu.vector_load %arg9[%swap3A_452, %swap3A_453] {strides = array<i32>} : memref<8x128xi32, #tpu.memory_space<vmem>>, vector<1x16xi32>,
      %swap3A_455 = vector.shape_cast %swap3A_454 : vector<1x16xi32> to vector<16xi32>
      %swap3A_456 = vector.shape_cast %add3A_450 : vector<16xi32> to vector<1x16xi32>
      tpu.vector_store %arg9[%swap3A_452, %swap3A_453], %swap3A_456 {strides = array<i32>} : memref<8x128xi32, #tpu.memory_space<vmem>>, vector<1x16xi32>,
      %get3A_457 = arith.constant 2 : i32
      %get3A_458 = arith.index_cast %get3A_457 : i32 to index
      %get3A_459 = arith.constant 80 : index
      %get3A_460 = tpu.vector_load %arg10[%get3A_458, %get3A_459] {strides = array<i32>} : memref<8x128xi32, #tpu.memory_space<vmem>>, vector<1x16xi32>,
      %get3A_461 = vector.shape_cast %get3A_460 : vector<1x16xi32> to vector<16xi32>
      %mul3A_462 = arith.constant 25 : i32
      %mul3A_463 = vector.broadcast %mul3A_462 : i32 to vector<16xi32>
      %mul3A_464 = arith.muli %get3A_461, %mul3A_463 : vector<16xi32>
      %get3A_465 = arith.constant 2 : i32
      %get3A_466 = arith.index_cast %get3A_465 : i32 to index
      %get3A_467 = arith.constant 80 : index
      %get3A_468 = tpu.vector_load %arg9[%get3A_466, %get3A_467] {strides = array<i32>} : memref<8x128xi32, #tpu.memory_space<vmem>>, vector<1x16xi32>,
      %get3A_469 = vector.shape_cast %get3A_468 : vector<1x16xi32> to vector<16xi32>
      %add3A_470 = arith.addi %mul3A_464, %get3A_469 : vector<16xi32>
      %swap3A_471 = arith.constant 2 : i32
      %swap3A_472 = arith.index_cast %swap3A_471 : i32 to index
      %swap3A_473 = arith.constant 80 : index
      %swap3A_474 = tpu.vector_load %arg9[%swap3A_472, %swap3A_473] {strides = array<i32>} : memref<8x128xi32, #tpu.memory_space<vmem>>, vector<1x16xi32>,
      %swap3A_475 = vector.shape_cast %swap3A_474 : vector<1x16xi32> to vector<16xi32>
      %swap3A_476 = vector.shape_cast %add3A_470 : vector<16xi32> to vector<1x16xi32>
      tpu.vector_store %arg9[%swap3A_472, %swap3A_473], %swap3A_476 {strides = array<i32>} : memref<8x128xi32, #tpu.memory_space<vmem>>, vector<1x16xi32>,
      %get3A_477 = arith.constant 2 : i32
      %get3A_478 = arith.index_cast %get3A_477 : i32 to index
      %get3A_479 = arith.constant 96 : index
      %get3A_480 = tpu.vector_load %arg10[%get3A_478, %get3A_479] {strides = array<i32>} : memref<8x128xi32, #tpu.memory_space<vmem>>, vector<1x16xi32>,
      %get3A_481 = vector.shape_cast %get3A_480 : vector<1x16xi32> to vector<16xi32>
      %mul3A_482 = arith.constant 25 : i32
      %mul3A_483 = vector.broadcast %mul3A_482 : i32 to vector<16xi32>
      %mul3A_484 = arith.muli %get3A_481, %mul3A_483 : vector<16xi32>
      %get3A_485 = arith.constant 2 : i32
      %get3A_486 = arith.index_cast %get3A_485 : i32 to index
      %get3A_487 = arith.constant 96 : index
      %get3A_488 = tpu.vector_load %arg9[%get3A_486, %get3A_487] {strides = array<i32>} : memref<8x128xi32, #tpu.memory_space<vmem>>, vector<1x16xi32>,
      %get3A_489 = vector.shape_cast %get3A_488 : vector<1x16xi32> to vector<16xi32>
      %add3A_490 = arith.addi %mul3A_484, %get3A_489 : vector<16xi32>
      %swap3A_491 = arith.constant 2 : i32
      %swap3A_492 = arith.index_cast %swap3A_491 : i32 to index
      %swap3A_493 = arith.constant 96 : index
      %swap3A_494 = tpu.vector_load %arg9[%swap3A_492, %swap3A_493] {strides = array<i32>} : memref<8x128xi32, #tpu.memory_space<vmem>>, vector<1x16xi32>,
      %swap3A_495 = vector.shape_cast %swap3A_494 : vector<1x16xi32> to vector<16xi32>
      %swap3A_496 = vector.shape_cast %add3A_490 : vector<16xi32> to vector<1x16xi32>
      tpu.vector_store %arg9[%swap3A_492, %swap3A_493], %swap3A_496 {strides = array<i32>} : memref<8x128xi32, #tpu.memory_space<vmem>>, vector<1x16xi32>,
      %get3A_497 = arith.constant 2 : i32
      %get3A_498 = arith.index_cast %get3A_497 : i32 to index
      %get3A_499 = arith.constant 112 : index
      %get3A_500 = tpu.vector_load %arg10[%get3A_498, %get3A_499] {strides = array<i32>} : memref<8x128xi32, #tpu.memory_space<vmem>>, vector<1x16xi32>,
      %get3A_501 = vector.shape_cast %get3A_500 : vector<1x16xi32> to vector<16xi32>
      %mul3A_502 = arith.constant 25 : i32
      %mul3A_503 = vector.broadcast %mul3A_502 : i32 to vector<16xi32>
      %mul3A_504 = arith.muli %get3A_501, %mul3A_503 : vector<16xi32>
      %get3A_505 = arith.constant 2 : i32
      %get3A_506 = arith.index_cast %get3A_505 : i32 to index
      %get3A_507 = arith.constant 112 : index
      %get3A_508 = tpu.vector_load %arg9[%get3A_506, %get3A_507] {strides = array<i32>} : memref<8x128xi32, #tpu.memory_space<vmem>>, vector<1x16xi32>,
      %get3A_509 = vector.shape_cast %get3A_508 : vector<1x16xi32> to vector<16xi32>
      %add3A_510 = arith.addi %mul3A_504, %get3A_509 : vector<16xi32>
      %swap3A_511 = arith.constant 2 : i32
      %swap3A_512 = arith.index_cast %swap3A_511 : i32 to index
      %swap3A_513 = arith.constant 112 : index
      %swap3A_514 = tpu.vector_load %arg9[%swap3A_512, %swap3A_513] {strides = array<i32>} : memref<8x128xi32, #tpu.memory_space<vmem>>, vector<1x16xi32>,
      %swap3A_515 = vector.shape_cast %swap3A_514 : vector<1x16xi32> to vector<16xi32>
      %swap3A_516 = vector.shape_cast %add3A_510 : vector<16xi32> to vector<1x16xi32>
      tpu.vector_store %arg9[%swap3A_512, %swap3A_513], %swap3A_516 {strides = array<i32>} : memref<8x128xi32, #tpu.memory_space<vmem>>, vector<1x16xi32>,
      %get3A_517 = arith.constant 3 : i32
      %get3A_518 = arith.index_cast %get3A_517 : i32 to index
      %get3A_519 = arith.constant 0 : index
      %get3A_520 = tpu.vector_load %arg10[%get3A_518, %get3A_519] {strides = array<i32>} : memref<8x128xi32, #tpu.memory_space<vmem>>, vector<1x16xi32>,
      %get3A_521 = vector.shape_cast %get3A_520 : vector<1x16xi32> to vector<16xi32>
      %mul3A_522 = arith.constant 25 : i32
      %mul3A_523 = vector.broadcast %mul3A_522 : i32 to vector<16xi32>
      %mul3A_524 = arith.muli %get3A_521, %mul3A_523 : vector<16xi32>
      %get3A_525 = arith.constant 3 : i32
      %get3A_526 = arith.index_cast %get3A_525 : i32 to index
      %get3A_527 = arith.constant 0 : index
      %get3A_528 = tpu.vector_load %arg9[%get3A_526, %get3A_527] {strides = array<i32>} : memref<8x128xi32, #tpu.memory_space<vmem>>, vector<1x16xi32>,
      %get3A_529 = vector.shape_cast %get3A_528 : vector<1x16xi32> to vector<16xi32>
      %add3A_530 = arith.addi %mul3A_524, %get3A_529 : vector<16xi32>
      %swap3A_531 = arith.constant 3 : i32
      %swap3A_532 = arith.index_cast %swap3A_531 : i32 to index
      %swap3A_533 = arith.constant 0 : index
      %swap3A_534 = tpu.vector_load %arg9[%swap3A_532, %swap3A_533] {strides = array<i32>} : memref<8x128xi32, #tpu.memory_space<vmem>>, vector<1x16xi32>,
      %swap3A_535 = vector.shape_cast %swap3A_534 : vector<1x16xi32> to vector<16xi32>
      %swap3A_536 = vector.shape_cast %add3A_530 : vector<16xi32> to vector<1x16xi32>
      tpu.vector_store %arg9[%swap3A_532, %swap3A_533], %swap3A_536 {strides = array<i32>} : memref<8x128xi32, #tpu.memory_space<vmem>>, vector<1x16xi32>,
      %get3A_537 = arith.constant 3 : i32
      %get3A_538 = arith.index_cast %get3A_537 : i32 to index
      %get3A_539 = arith.constant 16 : index
      %get3A_540 = tpu.vector_load %arg10[%get3A_538, %get3A_539] {strides = array<i32>} : memref<8x128xi32, #tpu.memory_space<vmem>>, vector<1x16xi32>,
      %get3A_541 = vector.shape_cast %get3A_540 : vector<1x16xi32> to vector<16xi32>
      %mul3A_542 = arith.constant 25 : i32
      %mul3A_543 = vector.broadcast %mul3A_542 : i32 to vector<16xi32>
      %mul3A_544 = arith.muli %get3A_541, %mul3A_543 : vector<16xi32>
      %get3A_545 = arith.constant 3 : i32
      %get3A_546 = arith.index_cast %get3A_545 : i32 to index
      %get3A_547 = arith.constant 16 : index
      %get3A_548 = tpu.vector_load %arg9[%get3A_546, %get3A_547] {strides = array<i32>} : memref<8x128xi32, #tpu.memory_space<vmem>>, vector<1x16xi32>,
      %get3A_549 = vector.shape_cast %get3A_548 : vector<1x16xi32> to vector<16xi32>
      %add3A_550 = arith.addi %mul3A_544, %get3A_549 : vector<16xi32>
      %swap3A_551 = arith.constant 3 : i32
      %swap3A_552 = arith.index_cast %swap3A_551 : i32 to index
      %swap3A_553 = arith.constant 16 : index
      %swap3A_554 = tpu.vector_load %arg9[%swap3A_552, %swap3A_553] {strides = array<i32>} : memref<8x128xi32, #tpu.memory_space<vmem>>, vector<1x16xi32>,
      %swap3A_555 = vector.shape_cast %swap3A_554 : vector<1x16xi32> to vector<16xi32>
      %swap3A_556 = vector.shape_cast %add3A_550 : vector<16xi32> to vector<1x16xi32>
      tpu.vector_store %arg9[%swap3A_552, %swap3A_553], %swap3A_556 {strides = array<i32>} : memref<8x128xi32, #tpu.memory_space<vmem>>, vector<1x16xi32>,
      %get3A_557 = arith.constant 3 : i32
      %get3A_558 = arith.index_cast %get3A_557 : i32 to index
      %get3A_559 = arith.constant 32 : index
      %get3A_560 = tpu.vector_load %arg10[%get3A_558, %get3A_559] {strides = array<i32>} : memref<8x128xi32, #tpu.memory_space<vmem>>, vector<1x16xi32>,
      %get3A_561 = vector.shape_cast %get3A_560 : vector<1x16xi32> to vector<16xi32>
      %mul3A_562 = arith.constant 25 : i32
      %mul3A_563 = vector.broadcast %mul3A_562 : i32 to vector<16xi32>
      %mul3A_564 = arith.muli %get3A_561, %mul3A_563 : vector<16xi32>
      %get3A_565 = arith.constant 3 : i32
      %get3A_566 = arith.index_cast %get3A_565 : i32 to index
      %get3A_567 = arith.constant 32 : index
      %get3A_568 = tpu.vector_load %arg9[%get3A_566, %get3A_567] {strides = array<i32>} : memref<8x128xi32, #tpu.memory_space<vmem>>, vector<1x16xi32>,
      %get3A_569 = vector.shape_cast %get3A_568 : vector<1x16xi32> to vector<16xi32>
      %add3A_570 = arith.addi %mul3A_564, %get3A_569 : vector<16xi32>
      %swap3A_571 = arith.constant 3 : i32
      %swap3A_572 = arith.index_cast %swap3A_571 : i32 to index
      %swap3A_573 = arith.constant 32 : index
      %swap3A_574 = tpu.vector_load %arg9[%swap3A_572, %swap3A_573] {strides = array<i32>} : memref<8x128xi32, #tpu.memory_space<vmem>>, vector<1x16xi32>,
      %swap3A_575 = vector.shape_cast %swap3A_574 : vector<1x16xi32> to vector<16xi32>
      %swap3A_576 = vector.shape_cast %add3A_570 : vector<16xi32> to vector<1x16xi32>
      tpu.vector_store %arg9[%swap3A_572, %swap3A_573], %swap3A_576 {strides = array<i32>} : memref<8x128xi32, #tpu.memory_space<vmem>>, vector<1x16xi32>,
      %get3A_577 = arith.constant 3 : i32
      %get3A_578 = arith.index_cast %get3A_577 : i32 to index
      %get3A_579 = arith.constant 48 : index
      %get3A_580 = tpu.vector_load %arg10[%get3A_578, %get3A_579] {strides = array<i32>} : memref<8x128xi32, #tpu.memory_space<vmem>>, vector<1x16xi32>,
      %get3A_581 = vector.shape_cast %get3A_580 : vector<1x16xi32> to vector<16xi32>
      %mul3A_582 = arith.constant 25 : i32
      %mul3A_583 = vector.broadcast %mul3A_582 : i32 to vector<16xi32>
      %mul3A_584 = arith.muli %get3A_581, %mul3A_583 : vector<16xi32>
      %get3A_585 = arith.constant 3 : i32
      %get3A_586 = arith.index_cast %get3A_585 : i32 to index
      %get3A_587 = arith.constant 48 : index
      %get3A_588 = tpu.vector_load %arg9[%get3A_586, %get3A_587] {strides = array<i32>} : memref<8x128xi32, #tpu.memory_space<vmem>>, vector<1x16xi32>,
      %get3A_589 = vector.shape_cast %get3A_588 : vector<1x16xi32> to vector<16xi32>
      %add3A_590 = arith.addi %mul3A_584, %get3A_589 : vector<16xi32>
      %swap3A_591 = arith.constant 3 : i32
      %swap3A_592 = arith.index_cast %swap3A_591 : i32 to index
      %swap3A_593 = arith.constant 48 : index
      %swap3A_594 = tpu.vector_load %arg9[%swap3A_592, %swap3A_593] {strides = array<i32>} : memref<8x128xi32, #tpu.memory_space<vmem>>, vector<1x16xi32>,
      %swap3A_595 = vector.shape_cast %swap3A_594 : vector<1x16xi32> to vector<16xi32>
      %swap3A_596 = vector.shape_cast %add3A_590 : vector<16xi32> to vector<1x16xi32>
      tpu.vector_store %arg9[%swap3A_592, %swap3A_593], %swap3A_596 {strides = array<i32>} : memref<8x128xi32, #tpu.memory_space<vmem>>, vector<1x16xi32>,
      %get3A_597 = arith.constant 3 : i32
      %get3A_598 = arith.index_cast %get3A_597 : i32 to index
      %get3A_599 = arith.constant 64 : index
      %get3A_600 = tpu.vector_load %arg10[%get3A_598, %get3A_599] {strides = array<i32>} : memref<8x128xi32, #tpu.memory_space<vmem>>, vector<1x16xi32>,
      %get3A_601 = vector.shape_cast %get3A_600 : vector<1x16xi32> to vector<16xi32>
      %mul3A_602 = arith.constant 25 : i32
      %mul3A_603 = vector.broadcast %mul3A_602 : i32 to vector<16xi32>
      %mul3A_604 = arith.muli %get3A_601, %mul3A_603 : vector<16xi32>
      %get3A_605 = arith.constant 3 : i32
      %get3A_606 = arith.index_cast %get3A_605 : i32 to index
      %get3A_607 = arith.constant 64 : index
      %get3A_608 = tpu.vector_load %arg9[%get3A_606, %get3A_607] {strides = array<i32>} : memref<8x128xi32, #tpu.memory_space<vmem>>, vector<1x16xi32>,
      %get3A_609 = vector.shape_cast %get3A_608 : vector<1x16xi32> to vector<16xi32>
      %add3A_610 = arith.addi %mul3A_604, %get3A_609 : vector<16xi32>
      %swap3A_611 = arith.constant 3 : i32
      %swap3A_612 = arith.index_cast %swap3A_611 : i32 to index
      %swap3A_613 = arith.constant 64 : index
      %swap3A_614 = tpu.vector_load %arg9[%swap3A_612, %swap3A_613] {strides = array<i32>} : memref<8x128xi32, #tpu.memory_space<vmem>>, vector<1x16xi32>,
      %swap3A_615 = vector.shape_cast %swap3A_614 : vector<1x16xi32> to vector<16xi32>
      %swap3A_616 = vector.shape_cast %add3A_610 : vector<16xi32> to vector<1x16xi32>
      tpu.vector_store %arg9[%swap3A_612, %swap3A_613], %swap3A_616 {strides = array<i32>} : memref<8x128xi32, #tpu.memory_space<vmem>>, vector<1x16xi32>,
      %get3A_617 = arith.constant 3 : i32
      %get3A_618 = arith.index_cast %get3A_617 : i32 to index
      %get3A_619 = arith.constant 80 : index
      %get3A_620 = tpu.vector_load %arg10[%get3A_618, %get3A_619] {strides = array<i32>} : memref<8x128xi32, #tpu.memory_space<vmem>>, vector<1x16xi32>,
      %get3A_621 = vector.shape_cast %get3A_620 : vector<1x16xi32> to vector<16xi32>
      %mul3A_622 = arith.constant 25 : i32
      %mul3A_623 = vector.broadcast %mul3A_622 : i32 to vector<16xi32>
      %mul3A_624 = arith.muli %get3A_621, %mul3A_623 : vector<16xi32>
      %get3A_625 = arith.constant 3 : i32
      %get3A_626 = arith.index_cast %get3A_625 : i32 to index
      %get3A_627 = arith.constant 80 : index
      %get3A_628 = tpu.vector_load %arg9[%get3A_626, %get3A_627] {strides = array<i32>} : memref<8x128xi32, #tpu.memory_space<vmem>>, vector<1x16xi32>,
      %get3A_629 = vector.shape_cast %get3A_628 : vector<1x16xi32> to vector<16xi32>
      %add3A_630 = arith.addi %mul3A_624, %get3A_629 : vector<16xi32>
      %swap3A_631 = arith.constant 3 : i32
      %swap3A_632 = arith.index_cast %swap3A_631 : i32 to index
      %swap3A_633 = arith.constant 80 : index
      %swap3A_634 = tpu.vector_load %arg9[%swap3A_632, %swap3A_633] {strides = array<i32>} : memref<8x128xi32, #tpu.memory_space<vmem>>, vector<1x16xi32>,
      %swap3A_635 = vector.shape_cast %swap3A_634 : vector<1x16xi32> to vector<16xi32>
      %swap3A_636 = vector.shape_cast %add3A_630 : vector<16xi32> to vector<1x16xi32>
      tpu.vector_store %arg9[%swap3A_632, %swap3A_633], %swap3A_636 {strides = array<i32>} : memref<8x128xi32, #tpu.memory_space<vmem>>, vector<1x16xi32>,
      %get3A_637 = arith.constant 3 : i32
      %get3A_638 = arith.index_cast %get3A_637 : i32 to index
      %get3A_639 = arith.constant 96 : index
      %get3A_640 = tpu.vector_load %arg10[%get3A_638, %get3A_639] {strides = array<i32>} : memref<8x128xi32, #tpu.memory_space<vmem>>, vector<1x16xi32>,
      %get3A_641 = vector.shape_cast %get3A_640 : vector<1x16xi32> to vector<16xi32>
      %mul3A_642 = arith.constant 25 : i32
      %mul3A_643 = vector.broadcast %mul3A_642 : i32 to vector<16xi32>
      %mul3A_644 = arith.muli %get3A_641, %mul3A_643 : vector<16xi32>
      %get3A_645 = arith.constant 3 : i32
      %get3A_646 = arith.index_cast %get3A_645 : i32 to index
      %get3A_647 = arith.constant 96 : index
      %get3A_648 = tpu.vector_load %arg9[%get3A_646, %get3A_647] {strides = array<i32>} : memref<8x128xi32, #tpu.memory_space<vmem>>, vector<1x16xi32>,
      %get3A_649 = vector.shape_cast %get3A_648 : vector<1x16xi32> to vector<16xi32>
      %add3A_650 = arith.addi %mul3A_644, %get3A_649 : vector<16xi32>
      %swap3A_651 = arith.constant 3 : i32
      %swap3A_652 = arith.index_cast %swap3A_651 : i32 to index
      %swap3A_653 = arith.constant 96 : index
      %swap3A_654 = tpu.vector_load %arg9[%swap3A_652, %swap3A_653] {strides = array<i32>} : memref<8x128xi32, #tpu.memory_space<vmem>>, vector<1x16xi32>,
      %swap3A_655 = vector.shape_cast %swap3A_654 : vector<1x16xi32> to vector<16xi32>
      %swap3A_656 = vector.shape_cast %add3A_650 : vector<16xi32> to vector<1x16xi32>
      tpu.vector_store %arg9[%swap3A_652, %swap3A_653], %swap3A_656 {strides = array<i32>} : memref<8x128xi32, #tpu.memory_space<vmem>>, vector<1x16xi32>,
      %get3A_657 = arith.constant 3 : i32
      %get3A_658 = arith.index_cast %get3A_657 : i32 to index
      %get3A_659 = arith.constant 112 : index
      %get3A_660 = tpu.vector_load %arg10[%get3A_658, %get3A_659] {strides = array<i32>} : memref<8x128xi32, #tpu.memory_space<vmem>>, vector<1x16xi32>,
      %get3A_661 = vector.shape_cast %get3A_660 : vector<1x16xi32> to vector<16xi32>
      %mul3A_662 = arith.constant 25 : i32
      %mul3A_663 = vector.broadcast %mul3A_662 : i32 to vector<16xi32>
      %mul3A_664 = arith.muli %get3A_661, %mul3A_663 : vector<16xi32>
      %get3A_665 = arith.constant 3 : i32
      %get3A_666 = arith.index_cast %get3A_665 : i32 to index
      %get3A_667 = arith.constant 112 : index
      %get3A_668 = tpu.vector_load %arg9[%get3A_666, %get3A_667] {strides = array<i32>} : memref<8x128xi32, #tpu.memory_space<vmem>>, vector<1x16xi32>,
      %get3A_669 = vector.shape_cast %get3A_668 : vector<1x16xi32> to vector<16xi32>
      %add3A_670 = arith.addi %mul3A_664, %get3A_669 : vector<16xi32>
      %swap3A_671 = arith.constant 3 : i32
      %swap3A_672 = arith.index_cast %swap3A_671 : i32 to index
      %swap3A_673 = arith.constant 112 : index
      %swap3A_674 = tpu.vector_load %arg9[%swap3A_672, %swap3A_673] {strides = array<i32>} : memref<8x128xi32, #tpu.memory_space<vmem>>, vector<1x16xi32>,
      %swap3A_675 = vector.shape_cast %swap3A_674 : vector<1x16xi32> to vector<16xi32>
      %swap3A_676 = vector.shape_cast %add3A_670 : vector<16xi32> to vector<1x16xi32>
      tpu.vector_store %arg9[%swap3A_672, %swap3A_673], %swap3A_676 {strides = array<i32>} : memref<8x128xi32, #tpu.memory_space<vmem>>, vector<1x16xi32>,
      %get3A_677 = arith.constant 4 : i32
      %get3A_678 = arith.index_cast %get3A_677 : i32 to index
      %get3A_679 = arith.constant 0 : index
      %get3A_680 = tpu.vector_load %arg10[%get3A_678, %get3A_679] {strides = array<i32>} : memref<8x128xi32, #tpu.memory_space<vmem>>, vector<1x16xi32>,
      %get3A_681 = vector.shape_cast %get3A_680 : vector<1x16xi32> to vector<16xi32>
      %mul3A_682 = arith.constant 25 : i32
      %mul3A_683 = vector.broadcast %mul3A_682 : i32 to vector<16xi32>
      %mul3A_684 = arith.muli %get3A_681, %mul3A_683 : vector<16xi32>
      %get3A_685 = arith.constant 4 : i32
      %get3A_686 = arith.index_cast %get3A_685 : i32 to index
      %get3A_687 = arith.constant 0 : index
      %get3A_688 = tpu.vector_load %arg9[%get3A_686, %get3A_687] {strides = array<i32>} : memref<8x128xi32, #tpu.memory_space<vmem>>, vector<1x16xi32>,
      %get3A_689 = vector.shape_cast %get3A_688 : vector<1x16xi32> to vector<16xi32>
      %add3A_690 = arith.addi %mul3A_684, %get3A_689 : vector<16xi32>
      %swap3A_691 = arith.constant 4 : i32
      %swap3A_692 = arith.index_cast %swap3A_691 : i32 to index
      %swap3A_693 = arith.constant 0 : index
      %swap3A_694 = tpu.vector_load %arg9[%swap3A_692, %swap3A_693] {strides = array<i32>} : memref<8x128xi32, #tpu.memory_space<vmem>>, vector<1x16xi32>,
      %swap3A_695 = vector.shape_cast %swap3A_694 : vector<1x16xi32> to vector<16xi32>
      %swap3A_696 = vector.shape_cast %add3A_690 : vector<16xi32> to vector<1x16xi32>
      tpu.vector_store %arg9[%swap3A_692, %swap3A_693], %swap3A_696 {strides = array<i32>} : memref<8x128xi32, #tpu.memory_space<vmem>>, vector<1x16xi32>,
      %get3A_697 = arith.constant 4 : i32
      %get3A_698 = arith.index_cast %get3A_697 : i32 to index
      %get3A_699 = arith.constant 16 : index
      %get3A_700 = tpu.vector_load %arg10[%get3A_698, %get3A_699] {strides = array<i32>} : memref<8x128xi32, #tpu.memory_space<vmem>>, vector<1x16xi32>,
      %get3A_701 = vector.shape_cast %get3A_700 : vector<1x16xi32> to vector<16xi32>
      %mul3A_702 = arith.constant 25 : i32
      %mul3A_703 = vector.broadcast %mul3A_702 : i32 to vector<16xi32>
      %mul3A_704 = arith.muli %get3A_701, %mul3A_703 : vector<16xi32>
      %get3A_705 = arith.constant 4 : i32
      %get3A_706 = arith.index_cast %get3A_705 : i32 to index
      %get3A_707 = arith.constant 16 : index
      %get3A_708 = tpu.vector_load %arg9[%get3A_706, %get3A_707] {strides = array<i32>} : memref<8x128xi32, #tpu.memory_space<vmem>>, vector<1x16xi32>,
      %get3A_709 = vector.shape_cast %get3A_708 : vector<1x16xi32> to vector<16xi32>
      %add3A_710 = arith.addi %mul3A_704, %get3A_709 : vector<16xi32>
      %swap3A_711 = arith.constant 4 : i32
      %swap3A_712 = arith.index_cast %swap3A_711 : i32 to index
      %swap3A_713 = arith.constant 16 : index
      %swap3A_714 = tpu.vector_load %arg9[%swap3A_712, %swap3A_713] {strides = array<i32>} : memref<8x128xi32, #tpu.memory_space<vmem>>, vector<1x16xi32>,
      %swap3A_715 = vector.shape_cast %swap3A_714 : vector<1x16xi32> to vector<16xi32>
      %swap3A_716 = vector.shape_cast %add3A_710 : vector<16xi32> to vector<1x16xi32>
      tpu.vector_store %arg9[%swap3A_712, %swap3A_713], %swap3A_716 {strides = array<i32>} : memref<8x128xi32, #tpu.memory_space<vmem>>, vector<1x16xi32>,
      %get3A_717 = arith.constant 4 : i32
      %get3A_718 = arith.index_cast %get3A_717 : i32 to index
      %get3A_719 = arith.constant 32 : index
      %get3A_720 = tpu.vector_load %arg10[%get3A_718, %get3A_719] {strides = array<i32>} : memref<8x128xi32, #tpu.memory_space<vmem>>, vector<1x16xi32>,
      %get3A_721 = vector.shape_cast %get3A_720 : vector<1x16xi32> to vector<16xi32>
      %mul3A_722 = arith.constant 25 : i32
      %mul3A_723 = vector.broadcast %mul3A_722 : i32 to vector<16xi32>
      %mul3A_724 = arith.muli %get3A_721, %mul3A_723 : vector<16xi32>
      %get3A_725 = arith.constant 4 : i32
      %get3A_726 = arith.index_cast %get3A_725 : i32 to index
      %get3A_727 = arith.constant 32 : index
      %get3A_728 = tpu.vector_load %arg9[%get3A_726, %get3A_727] {strides = array<i32>} : memref<8x128xi32, #tpu.memory_space<vmem>>, vector<1x16xi32>,
      %get3A_729 = vector.shape_cast %get3A_728 : vector<1x16xi32> to vector<16xi32>
      %add3A_730 = arith.addi %mul3A_724, %get3A_729 : vector<16xi32>
      %swap3A_731 = arith.constant 4 : i32
      %swap3A_732 = arith.index_cast %swap3A_731 : i32 to index
      %swap3A_733 = arith.constant 32 : index
      %swap3A_734 = tpu.vector_load %arg9[%swap3A_732, %swap3A_733] {strides = array<i32>} : memref<8x128xi32, #tpu.memory_space<vmem>>, vector<1x16xi32>,
      %swap3A_735 = vector.shape_cast %swap3A_734 : vector<1x16xi32> to vector<16xi32>
      %swap3A_736 = vector.shape_cast %add3A_730 : vector<16xi32> to vector<1x16xi32>
      tpu.vector_store %arg9[%swap3A_732, %swap3A_733], %swap3A_736 {strides = array<i32>} : memref<8x128xi32, #tpu.memory_space<vmem>>, vector<1x16xi32>,
      %get3A_737 = arith.constant 4 : i32
      %get3A_738 = arith.index_cast %get3A_737 : i32 to index
      %get3A_739 = arith.constant 48 : index
      %get3A_740 = tpu.vector_load %arg10[%get3A_738, %get3A_739] {strides = array<i32>} : memref<8x128xi32, #tpu.memory_space<vmem>>, vector<1x16xi32>,
      %get3A_741 = vector.shape_cast %get3A_740 : vector<1x16xi32> to vector<16xi32>
      %mul3A_742 = arith.constant 25 : i32
      %mul3A_743 = vector.broadcast %mul3A_742 : i32 to vector<16xi32>
      %mul3A_744 = arith.muli %get3A_741, %mul3A_743 : vector<16xi32>
      %get3A_745 = arith.constant 4 : i32
      %get3A_746 = arith.index_cast %get3A_745 : i32 to index
      %get3A_747 = arith.constant 48 : index
      %get3A_748 = tpu.vector_load %arg9[%get3A_746, %get3A_747] {strides = array<i32>} : memref<8x128xi32, #tpu.memory_space<vmem>>, vector<1x16xi32>,
      %get3A_749 = vector.shape_cast %get3A_748 : vector<1x16xi32> to vector<16xi32>
      %add3A_750 = arith.addi %mul3A_744, %get3A_749 : vector<16xi32>
      %swap3A_751 = arith.constant 4 : i32
      %swap3A_752 = arith.index_cast %swap3A_751 : i32 to index
      %swap3A_753 = arith.constant 48 : index
      %swap3A_754 = tpu.vector_load %arg9[%swap3A_752, %swap3A_753] {strides = array<i32>} : memref<8x128xi32, #tpu.memory_space<vmem>>, vector<1x16xi32>,
      %swap3A_755 = vector.shape_cast %swap3A_754 : vector<1x16xi32> to vector<16xi32>
      %swap3A_756 = vector.shape_cast %add3A_750 : vector<16xi32> to vector<1x16xi32>
      tpu.vector_store %arg9[%swap3A_752, %swap3A_753], %swap3A_756 {strides = array<i32>} : memref<8x128xi32, #tpu.memory_space<vmem>>, vector<1x16xi32>,
      %get3A_757 = arith.constant 4 : i32
      %get3A_758 = arith.index_cast %get3A_757 : i32 to index
      %get3A_759 = arith.constant 64 : index
      %get3A_760 = tpu.vector_load %arg10[%get3A_758, %get3A_759] {strides = array<i32>} : memref<8x128xi32, #tpu.memory_space<vmem>>, vector<1x16xi32>,
      %get3A_761 = vector.shape_cast %get3A_760 : vector<1x16xi32> to vector<16xi32>
      %mul3A_762 = arith.constant 25 : i32
      %mul3A_763 = vector.broadcast %mul3A_762 : i32 to vector<16xi32>
      %mul3A_764 = arith.muli %get3A_761, %mul3A_763 : vector<16xi32>
      %get3A_765 = arith.constant 4 : i32
      %get3A_766 = arith.index_cast %get3A_765 : i32 to index
      %get3A_767 = arith.constant 64 : index
      %get3A_768 = tpu.vector_load %arg9[%get3A_766, %get3A_767] {strides = array<i32>} : memref<8x128xi32, #tpu.memory_space<vmem>>, vector<1x16xi32>,
      %get3A_769 = vector.shape_cast %get3A_768 : vector<1x16xi32> to vector<16xi32>
      %add3A_770 = arith.addi %mul3A_764, %get3A_769 : vector<16xi32>
      %swap3A_771 = arith.constant 4 : i32
      %swap3A_772 = arith.index_cast %swap3A_771 : i32 to index
      %swap3A_773 = arith.constant 64 : index
      %swap3A_774 = tpu.vector_load %arg9[%swap3A_772, %swap3A_773] {strides = array<i32>} : memref<8x128xi32, #tpu.memory_space<vmem>>, vector<1x16xi32>,
      %swap3A_775 = vector.shape_cast %swap3A_774 : vector<1x16xi32> to vector<16xi32>
      %swap3A_776 = vector.shape_cast %add3A_770 : vector<16xi32> to vector<1x16xi32>
      tpu.vector_store %arg9[%swap3A_772, %swap3A_773], %swap3A_776 {strides = array<i32>} : memref<8x128xi32, #tpu.memory_space<vmem>>, vector<1x16xi32>,
      %get3A_777 = arith.constant 4 : i32
      %get3A_778 = arith.index_cast %get3A_777 : i32 to index
      %get3A_779 = arith.constant 80 : index
      %get3A_780 = tpu.vector_load %arg10[%get3A_778, %get3A_779] {strides = array<i32>} : memref<8x128xi32, #tpu.memory_space<vmem>>, vector<1x16xi32>,
      %get3A_781 = vector.shape_cast %get3A_780 : vector<1x16xi32> to vector<16xi32>
      %mul3A_782 = arith.constant 25 : i32
      %mul3A_783 = vector.broadcast %mul3A_782 : i32 to vector<16xi32>
      %mul3A_784 = arith.muli %get3A_781, %mul3A_783 : vector<16xi32>
      %get3A_785 = arith.constant 4 : i32
      %get3A_786 = arith.index_cast %get3A_785 : i32 to index
      %get3A_787 = arith.constant 80 : index
      %get3A_788 = tpu.vector_load %arg9[%get3A_786, %get3A_787] {strides = array<i32>} : memref<8x128xi32, #tpu.memory_space<vmem>>, vector<1x16xi32>,
      %get3A_789 = vector.shape_cast %get3A_788 : vector<1x16xi32> to vector<16xi32>
      %add3A_790 = arith.addi %mul3A_784, %get3A_789 : vector<16xi32>
      %swap3A_791 = arith.constant 4 : i32
      %swap3A_792 = arith.index_cast %swap3A_791 : i32 to index
      %swap3A_793 = arith.constant 80 : index
      %swap3A_794 = tpu.vector_load %arg9[%swap3A_792, %swap3A_793] {strides = array<i32>} : memref<8x128xi32, #tpu.memory_space<vmem>>, vector<1x16xi32>,
      %swap3A_795 = vector.shape_cast %swap3A_794 : vector<1x16xi32> to vector<16xi32>
      %swap3A_796 = vector.shape_cast %add3A_790 : vector<16xi32> to vector<1x16xi32>
      tpu.vector_store %arg9[%swap3A_792, %swap3A_793], %swap3A_796 {strides = array<i32>} : memref<8x128xi32, #tpu.memory_space<vmem>>, vector<1x16xi32>,
      %get3A_797 = arith.constant 4 : i32
      %get3A_798 = arith.index_cast %get3A_797 : i32 to index
      %get3A_799 = arith.constant 96 : index
      %get3A_800 = tpu.vector_load %arg10[%get3A_798, %get3A_799] {strides = array<i32>} : memref<8x128xi32, #tpu.memory_space<vmem>>, vector<1x16xi32>,
      %get3A_801 = vector.shape_cast %get3A_800 : vector<1x16xi32> to vector<16xi32>
      %mul3A_802 = arith.constant 25 : i32
      %mul3A_803 = vector.broadcast %mul3A_802 : i32 to vector<16xi32>
      %mul3A_804 = arith.muli %get3A_801, %mul3A_803 : vector<16xi32>
      %get3A_805 = arith.constant 4 : i32
      %get3A_806 = arith.index_cast %get3A_805 : i32 to index
      %get3A_807 = arith.constant 96 : index
      %get3A_808 = tpu.vector_load %arg9[%get3A_806, %get3A_807] {strides = array<i32>} : memref<8x128xi32, #tpu.memory_space<vmem>>, vector<1x16xi32>,
      %get3A_809 = vector.shape_cast %get3A_808 : vector<1x16xi32> to vector<16xi32>
      %add3A_810 = arith.addi %mul3A_804, %get3A_809 : vector<16xi32>
      %swap3A_811 = arith.constant 4 : i32
      %swap3A_812 = arith.index_cast %swap3A_811 : i32 to index
      %swap3A_813 = arith.constant 96 : index
      %swap3A_814 = tpu.vector_load %arg9[%swap3A_812, %swap3A_813] {strides = array<i32>} : memref<8x128xi32, #tpu.memory_space<vmem>>, vector<1x16xi32>,
      %swap3A_815 = vector.shape_cast %swap3A_814 : vector<1x16xi32> to vector<16xi32>
      %swap3A_816 = vector.shape_cast %add3A_810 : vector<16xi32> to vector<1x16xi32>
      tpu.vector_store %arg9[%swap3A_812, %swap3A_813], %swap3A_816 {strides = array<i32>} : memref<8x128xi32, #tpu.memory_space<vmem>>, vector<1x16xi32>,
      %get3A_817 = arith.constant 4 : i32
      %get3A_818 = arith.index_cast %get3A_817 : i32 to index
      %get3A_819 = arith.constant 112 : index
      %get3A_820 = tpu.vector_load %arg10[%get3A_818, %get3A_819] {strides = array<i32>} : memref<8x128xi32, #tpu.memory_space<vmem>>, vector<1x16xi32>,
      %get3A_821 = vector.shape_cast %get3A_820 : vector<1x16xi32> to vector<16xi32>
      %mul3A_822 = arith.constant 25 : i32
      %mul3A_823 = vector.broadcast %mul3A_822 : i32 to vector<16xi32>
      %mul3A_824 = arith.muli %get3A_821, %mul3A_823 : vector<16xi32>
      %get3A_825 = arith.constant 4 : i32
      %get3A_826 = arith.index_cast %get3A_825 : i32 to index
      %get3A_827 = arith.constant 112 : index
      %get3A_828 = tpu.vector_load %arg9[%get3A_826, %get3A_827] {strides = array<i32>} : memref<8x128xi32, #tpu.memory_space<vmem>>, vector<1x16xi32>,
      %get3A_829 = vector.shape_cast %get3A_828 : vector<1x16xi32> to vector<16xi32>
      %add3A_830 = arith.addi %mul3A_824, %get3A_829 : vector<16xi32>
      %swap3A_831 = arith.constant 4 : i32
      %swap3A_832 = arith.index_cast %swap3A_831 : i32 to index
      %swap3A_833 = arith.constant 112 : index
      %swap3A_834 = tpu.vector_load %arg9[%swap3A_832, %swap3A_833] {strides = array<i32>} : memref<8x128xi32, #tpu.memory_space<vmem>>, vector<1x16xi32>,
      %swap3A_835 = vector.shape_cast %swap3A_834 : vector<1x16xi32> to vector<16xi32>
      %swap3A_836 = vector.shape_cast %add3A_830 : vector<16xi32> to vector<1x16xi32>
      tpu.vector_store %arg9[%swap3A_832, %swap3A_833], %swap3A_836 {strides = array<i32>} : memref<8x128xi32, #tpu.memory_space<vmem>>, vector<1x16xi32>,
      %get3A_837 = arith.constant 5 : i32
      %get3A_838 = arith.index_cast %get3A_837 : i32 to index
      %get3A_839 = arith.constant 0 : index
      %get3A_840 = tpu.vector_load %arg10[%get3A_838, %get3A_839] {strides = array<i32>} : memref<8x128xi32, #tpu.memory_space<vmem>>, vector<1x16xi32>,
      %get3A_841 = vector.shape_cast %get3A_840 : vector<1x16xi32> to vector<16xi32>
      %mul3A_842 = arith.constant 25 : i32
      %mul3A_843 = vector.broadcast %mul3A_842 : i32 to vector<16xi32>
      %mul3A_844 = arith.muli %get3A_841, %mul3A_843 : vector<16xi32>
      %get3A_845 = arith.constant 5 : i32
      %get3A_846 = arith.index_cast %get3A_845 : i32 to index
      %get3A_847 = arith.constant 0 : index
      %get3A_848 = tpu.vector_load %arg9[%get3A_846, %get3A_847] {strides = array<i32>} : memref<8x128xi32, #tpu.memory_space<vmem>>, vector<1x16xi32>,
      %get3A_849 = vector.shape_cast %get3A_848 : vector<1x16xi32> to vector<16xi32>
      %add3A_850 = arith.addi %mul3A_844, %get3A_849 : vector<16xi32>
      %swap3A_851 = arith.constant 5 : i32
      %swap3A_852 = arith.index_cast %swap3A_851 : i32 to index
      %swap3A_853 = arith.constant 0 : index
      %swap3A_854 = tpu.vector_load %arg9[%swap3A_852, %swap3A_853] {strides = array<i32>} : memref<8x128xi32, #tpu.memory_space<vmem>>, vector<1x16xi32>,
      %swap3A_855 = vector.shape_cast %swap3A_854 : vector<1x16xi32> to vector<16xi32>
      %swap3A_856 = vector.shape_cast %add3A_850 : vector<16xi32> to vector<1x16xi32>
      tpu.vector_store %arg9[%swap3A_852, %swap3A_853], %swap3A_856 {strides = array<i32>} : memref<8x128xi32, #tpu.memory_space<vmem>>, vector<1x16xi32>,
      %get3A_857 = arith.constant 5 : i32
      %get3A_858 = arith.index_cast %get3A_857 : i32 to index
      %get3A_859 = arith.constant 16 : index
      %get3A_860 = tpu.vector_load %arg10[%get3A_858, %get3A_859] {strides = array<i32>} : memref<8x128xi32, #tpu.memory_space<vmem>>, vector<1x16xi32>,
      %get3A_861 = vector.shape_cast %get3A_860 : vector<1x16xi32> to vector<16xi32>
      %mul3A_862 = arith.constant 25 : i32
      %mul3A_863 = vector.broadcast %mul3A_862 : i32 to vector<16xi32>
      %mul3A_864 = arith.muli %get3A_861, %mul3A_863 : vector<16xi32>
      %get3A_865 = arith.constant 5 : i32
      %get3A_866 = arith.index_cast %get3A_865 : i32 to index
      %get3A_867 = arith.constant 16 : index
      %get3A_868 = tpu.vector_load %arg9[%get3A_866, %get3A_867] {strides = array<i32>} : memref<8x128xi32, #tpu.memory_space<vmem>>, vector<1x16xi32>,
      %get3A_869 = vector.shape_cast %get3A_868 : vector<1x16xi32> to vector<16xi32>
      %add3A_870 = arith.addi %mul3A_864, %get3A_869 : vector<16xi32>
      %swap3A_871 = arith.constant 5 : i32
      %swap3A_872 = arith.index_cast %swap3A_871 : i32 to index
      %swap3A_873 = arith.constant 16 : index
      %swap3A_874 = tpu.vector_load %arg9[%swap3A_872, %swap3A_873] {strides = array<i32>} : memref<8x128xi32, #tpu.memory_space<vmem>>, vector<1x16xi32>,
      %swap3A_875 = vector.shape_cast %swap3A_874 : vector<1x16xi32> to vector<16xi32>
      %swap3A_876 = vector.shape_cast %add3A_870 : vector<16xi32> to vector<1x16xi32>
      tpu.vector_store %arg9[%swap3A_872, %swap3A_873], %swap3A_876 {strides = array<i32>} : memref<8x128xi32, #tpu.memory_space<vmem>>, vector<1x16xi32>,
      %get3A_877 = arith.constant 5 : i32
      %get3A_878 = arith.index_cast %get3A_877 : i32 to index
      %get3A_879 = arith.constant 32 : index
      %get3A_880 = tpu.vector_load %arg10[%get3A_878, %get3A_879] {strides = array<i32>} : memref<8x128xi32, #tpu.memory_space<vmem>>, vector<1x16xi32>,
      %get3A_881 = vector.shape_cast %get3A_880 : vector<1x16xi32> to vector<16xi32>
      %mul3A_882 = arith.constant 25 : i32
      %mul3A_883 = vector.broadcast %mul3A_882 : i32 to vector<16xi32>
      %mul3A_884 = arith.muli %get3A_881, %mul3A_883 : vector<16xi32>
      %get3A_885 = arith.constant 5 : i32
      %get3A_886 = arith.index_cast %get3A_885 : i32 to index
      %get3A_887 = arith.constant 32 : index
      %get3A_888 = tpu.vector_load %arg9[%get3A_886, %get3A_887] {strides = array<i32>} : memref<8x128xi32, #tpu.memory_space<vmem>>, vector<1x16xi32>,
      %get3A_889 = vector.shape_cast %get3A_888 : vector<1x16xi32> to vector<16xi32>
      %add3A_890 = arith.addi %mul3A_884, %get3A_889 : vector<16xi32>
      %swap3A_891 = arith.constant 5 : i32
      %swap3A_892 = arith.index_cast %swap3A_891 : i32 to index
      %swap3A_893 = arith.constant 32 : index
      %swap3A_894 = tpu.vector_load %arg9[%swap3A_892, %swap3A_893] {strides = array<i32>} : memref<8x128xi32, #tpu.memory_space<vmem>>, vector<1x16xi32>,
      %swap3A_895 = vector.shape_cast %swap3A_894 : vector<1x16xi32> to vector<16xi32>
      %swap3A_896 = vector.shape_cast %add3A_890 : vector<16xi32> to vector<1x16xi32>
      tpu.vector_store %arg9[%swap3A_892, %swap3A_893], %swap3A_896 {strides = array<i32>} : memref<8x128xi32, #tpu.memory_space<vmem>>, vector<1x16xi32>,
      %get3A_897 = arith.constant 5 : i32
      %get3A_898 = arith.index_cast %get3A_897 : i32 to index
      %get3A_899 = arith.constant 48 : index
      %get3A_900 = tpu.vector_load %arg10[%get3A_898, %get3A_899] {strides = array<i32>} : memref<8x128xi32, #tpu.memory_space<vmem>>, vector<1x16xi32>,
      %get3A_901 = vector.shape_cast %get3A_900 : vector<1x16xi32> to vector<16xi32>
      %mul3A_902 = arith.constant 25 : i32
      %mul3A_903 = vector.broadcast %mul3A_902 : i32 to vector<16xi32>
      %mul3A_904 = arith.muli %get3A_901, %mul3A_903 : vector<16xi32>
      %get3A_905 = arith.constant 5 : i32
      %get3A_906 = arith.index_cast %get3A_905 : i32 to index
      %get3A_907 = arith.constant 48 : index
      %get3A_908 = tpu.vector_load %arg9[%get3A_906, %get3A_907] {strides = array<i32>} : memref<8x128xi32, #tpu.memory_space<vmem>>, vector<1x16xi32>,
      %get3A_909 = vector.shape_cast %get3A_908 : vector<1x16xi32> to vector<16xi32>
      %add3A_910 = arith.addi %mul3A_904, %get3A_909 : vector<16xi32>
      %swap3A_911 = arith.constant 5 : i32
      %swap3A_912 = arith.index_cast %swap3A_911 : i32 to index
      %swap3A_913 = arith.constant 48 : index
      %swap3A_914 = tpu.vector_load %arg9[%swap3A_912, %swap3A_913] {strides = array<i32>} : memref<8x128xi32, #tpu.memory_space<vmem>>, vector<1x16xi32>,
      %swap3A_915 = vector.shape_cast %swap3A_914 : vector<1x16xi32> to vector<16xi32>
      %swap3A_916 = vector.shape_cast %add3A_910 : vector<16xi32> to vector<1x16xi32>
      tpu.vector_store %arg9[%swap3A_912, %swap3A_913], %swap3A_916 {strides = array<i32>} : memref<8x128xi32, #tpu.memory_space<vmem>>, vector<1x16xi32>,
      %get3A_917 = arith.constant 5 : i32
      %get3A_918 = arith.index_cast %get3A_917 : i32 to index
      %get3A_919 = arith.constant 64 : index
      %get3A_920 = tpu.vector_load %arg10[%get3A_918, %get3A_919] {strides = array<i32>} : memref<8x128xi32, #tpu.memory_space<vmem>>, vector<1x16xi32>,
      %get3A_921 = vector.shape_cast %get3A_920 : vector<1x16xi32> to vector<16xi32>
      %mul3A_922 = arith.constant 25 : i32
      %mul3A_923 = vector.broadcast %mul3A_922 : i32 to vector<16xi32>
      %mul3A_924 = arith.muli %get3A_921, %mul3A_923 : vector<16xi32>
      %get3A_925 = arith.constant 5 : i32
      %get3A_926 = arith.index_cast %get3A_925 : i32 to index
      %get3A_927 = arith.constant 64 : index
      %get3A_928 = tpu.vector_load %arg9[%get3A_926, %get3A_927] {strides = array<i32>} : memref<8x128xi32, #tpu.memory_space<vmem>>, vector<1x16xi32>,
      %get3A_929 = vector.shape_cast %get3A_928 : vector<1x16xi32> to vector<16xi32>
      %add3A_930 = arith.addi %mul3A_924, %get3A_929 : vector<16xi32>
      %swap3A_931 = arith.constant 5 : i32
      %swap3A_932 = arith.index_cast %swap3A_931 : i32 to index
      %swap3A_933 = arith.constant 64 : index
      %swap3A_934 = tpu.vector_load %arg9[%swap3A_932, %swap3A_933] {strides = array<i32>} : memref<8x128xi32, #tpu.memory_space<vmem>>, vector<1x16xi32>,
      %swap3A_935 = vector.shape_cast %swap3A_934 : vector<1x16xi32> to vector<16xi32>
      %swap3A_936 = vector.shape_cast %add3A_930 : vector<16xi32> to vector<1x16xi32>
      tpu.vector_store %arg9[%swap3A_932, %swap3A_933], %swap3A_936 {strides = array<i32>} : memref<8x128xi32, #tpu.memory_space<vmem>>, vector<1x16xi32>,
      %get3A_937 = arith.constant 5 : i32
      %get3A_938 = arith.index_cast %get3A_937 : i32 to index
      %get3A_939 = arith.constant 80 : index
      %get3A_940 = tpu.vector_load %arg10[%get3A_938, %get3A_939] {strides = array<i32>} : memref<8x128xi32, #tpu.memory_space<vmem>>, vector<1x16xi32>,
      %get3A_941 = vector.shape_cast %get3A_940 : vector<1x16xi32> to vector<16xi32>
      %mul3A_942 = arith.constant 25 : i32
      %mul3A_943 = vector.broadcast %mul3A_942 : i32 to vector<16xi32>
      %mul3A_944 = arith.muli %get3A_941, %mul3A_943 : vector<16xi32>
      %get3A_945 = arith.constant 5 : i32
      %get3A_946 = arith.index_cast %get3A_945 : i32 to index
      %get3A_947 = arith.constant 80 : index
      %get3A_948 = tpu.vector_load %arg9[%get3A_946, %get3A_947] {strides = array<i32>} : memref<8x128xi32, #tpu.memory_space<vmem>>, vector<1x16xi32>,
      %get3A_949 = vector.shape_cast %get3A_948 : vector<1x16xi32> to vector<16xi32>
      %add3A_950 = arith.addi %mul3A_944, %get3A_949 : vector<16xi32>
      %swap3A_951 = arith.constant 5 : i32
      %swap3A_952 = arith.index_cast %swap3A_951 : i32 to index
      %swap3A_953 = arith.constant 80 : index
      %swap3A_954 = tpu.vector_load %arg9[%swap3A_952, %swap3A_953] {strides = array<i32>} : memref<8x128xi32, #tpu.memory_space<vmem>>, vector<1x16xi32>,
      %swap3A_955 = vector.shape_cast %swap3A_954 : vector<1x16xi32> to vector<16xi32>
      %swap3A_956 = vector.shape_cast %add3A_950 : vector<16xi32> to vector<1x16xi32>
      tpu.vector_store %arg9[%swap3A_952, %swap3A_953], %swap3A_956 {strides = array<i32>} : memref<8x128xi32, #tpu.memory_space<vmem>>, vector<1x16xi32>,
      %get3A_957 = arith.constant 5 : i32
      %get3A_958 = arith.index_cast %get3A_957 : i32 to index
      %get3A_959 = arith.constant 96 : index
      %get3A_960 = tpu.vector_load %arg10[%get3A_958, %get3A_959] {strides = array<i32>} : memref<8x128xi32, #tpu.memory_space<vmem>>, vector<1x16xi32>,
      %get3A_961 = vector.shape_cast %get3A_960 : vector<1x16xi32> to vector<16xi32>
      %mul3A_962 = arith.constant 25 : i32
      %mul3A_963 = vector.broadcast %mul3A_962 : i32 to vector<16xi32>
      %mul3A_964 = arith.muli %get3A_961, %mul3A_963 : vector<16xi32>
      %get3A_965 = arith.constant 5 : i32
      %get3A_966 = arith.index_cast %get3A_965 : i32 to index
      %get3A_967 = arith.constant 96 : index
      %get3A_968 = tpu.vector_load %arg9[%get3A_966, %get3A_967] {strides = array<i32>} : memref<8x128xi32, #tpu.memory_space<vmem>>, vector<1x16xi32>,
      %get3A_969 = vector.shape_cast %get3A_968 : vector<1x16xi32> to vector<16xi32>
      %add3A_970 = arith.addi %mul3A_964, %get3A_969 : vector<16xi32>
      %swap3A_971 = arith.constant 5 : i32
      %swap3A_972 = arith.index_cast %swap3A_971 : i32 to index
      %swap3A_973 = arith.constant 96 : index
      %swap3A_974 = tpu.vector_load %arg9[%swap3A_972, %swap3A_973] {strides = array<i32>} : memref<8x128xi32, #tpu.memory_space<vmem>>, vector<1x16xi32>,
      %swap3A_975 = vector.shape_cast %swap3A_974 : vector<1x16xi32> to vector<16xi32>
      %swap3A_976 = vector.shape_cast %add3A_970 : vector<16xi32> to vector<1x16xi32>
      tpu.vector_store %arg9[%swap3A_972, %swap3A_973], %swap3A_976 {strides = array<i32>} : memref<8x128xi32, #tpu.memory_space<vmem>>, vector<1x16xi32>,
      %get3A_977 = arith.constant 5 : i32
      %get3A_978 = arith.index_cast %get3A_977 : i32 to index
      %get3A_979 = arith.constant 112 : index
      %get3A_980 = tpu.vector_load %arg10[%get3A_978, %get3A_979] {strides = array<i32>} : memref<8x128xi32, #tpu.memory_space<vmem>>, vector<1x16xi32>,
      %get3A_981 = vector.shape_cast %get3A_980 : vector<1x16xi32> to vector<16xi32>
      %mul3A_982 = arith.constant 25 : i32
      %mul3A_983 = vector.broadcast %mul3A_982 : i32 to vector<16xi32>
      %mul3A_984 = arith.muli %get3A_981, %mul3A_983 : vector<16xi32>
      %get3A_985 = arith.constant 5 : i32
      %get3A_986 = arith.index_cast %get3A_985 : i32 to index
      %get3A_987 = arith.constant 112 : index
      %get3A_988 = tpu.vector_load %arg9[%get3A_986, %get3A_987] {strides = array<i32>} : memref<8x128xi32, #tpu.memory_space<vmem>>, vector<1x16xi32>,
      %get3A_989 = vector.shape_cast %get3A_988 : vector<1x16xi32> to vector<16xi32>
      %add3A_990 = arith.addi %mul3A_984, %get3A_989 : vector<16xi32>
      %swap3A_991 = arith.constant 5 : i32
      %swap3A_992 = arith.index_cast %swap3A_991 : i32 to index
      %swap3A_993 = arith.constant 112 : index
      %swap3A_994 = tpu.vector_load %arg9[%swap3A_992, %swap3A_993] {strides = array<i32>} : memref<8x128xi32, #tpu.memory_space<vmem>>, vector<1x16xi32>,
      %swap3A_995 = vector.shape_cast %swap3A_994 : vector<1x16xi32> to vector<16xi32>
      %swap3A_996 = vector.shape_cast %add3A_990 : vector<16xi32> to vector<1x16xi32>
      tpu.vector_store %arg9[%swap3A_992, %swap3A_993], %swap3A_996 {strides = array<i32>} : memref<8x128xi32, #tpu.memory_space<vmem>>, vector<1x16xi32>,
      %get3A_997 = arith.constant 6 : i32
      %get3A_998 = arith.index_cast %get3A_997 : i32 to index
      %get3A_999 = arith.constant 0 : index
      %get3A_1000 = tpu.vector_load %arg10[%get3A_998, %get3A_999] {strides = array<i32>} : memref<8x128xi32, #tpu.memory_space<vmem>>, vector<1x16xi32>,
      %get3A_1001 = vector.shape_cast %get3A_1000 : vector<1x16xi32> to vector<16xi32>
      %mul3A_1002 = arith.constant 25 : i32
      %mul3A_1003 = vector.broadcast %mul3A_1002 : i32 to vector<16xi32>
      %mul3A_1004 = arith.muli %get3A_1001, %mul3A_1003 : vector<16xi32>
      %get3A_1005 = arith.constant 6 : i32
      %get3A_1006 = arith.index_cast %get3A_1005 : i32 to index
      %get3A_1007 = arith.constant 0 : index
      %get3A_1008 = tpu.vector_load %arg9[%get3A_1006, %get3A_1007] {strides = array<i32>} : memref<8x128xi32, #tpu.memory_space<vmem>>, vector<1x16xi32>,
      %get3A_1009 = vector.shape_cast %get3A_1008 : vector<1x16xi32> to vector<16xi32>
      %add3A_1010 = arith.addi %mul3A_1004, %get3A_1009 : vector<16xi32>
      %swap3A_1011 = arith.constant 6 : i32
      %swap3A_1012 = arith.index_cast %swap3A_1011 : i32 to index
      %swap3A_1013 = arith.constant 0 : index
      %swap3A_1014 = tpu.vector_load %arg9[%swap3A_1012, %swap3A_1013] {strides = array<i32>} : memref<8x128xi32, #tpu.memory_space<vmem>>, vector<1x16xi32>,
      %swap3A_1015 = vector.shape_cast %swap3A_1014 : vector<1x16xi32> to vector<16xi32>
      %swap3A_1016 = vector.shape_cast %add3A_1010 : vector<16xi32> to vector<1x16xi32>
      tpu.vector_store %arg9[%swap3A_1012, %swap3A_1013], %swap3A_1016 {strides = array<i32>} : memref<8x128xi32, #tpu.memory_space<vmem>>, vector<1x16xi32>,
      %get3A_1017 = arith.constant 6 : i32
      %get3A_1018 = arith.index_cast %get3A_1017 : i32 to index
      %get3A_1019 = arith.constant 16 : index
      %get3A_1020 = tpu.vector_load %arg10[%get3A_1018, %get3A_1019] {strides = array<i32>} : memref<8x128xi32, #tpu.memory_space<vmem>>, vector<1x16xi32>,
      %get3A_1021 = vector.shape_cast %get3A_1020 : vector<1x16xi32> to vector<16xi32>
      %mul3A_1022 = arith.constant 25 : i32
      %mul3A_1023 = vector.broadcast %mul3A_1022 : i32 to vector<16xi32>
      %mul3A_1024 = arith.muli %get3A_1021, %mul3A_1023 : vector<16xi32>
      %get3A_1025 = arith.constant 6 : i32
      %get3A_1026 = arith.index_cast %get3A_1025 : i32 to index
      %get3A_1027 = arith.constant 16 : index
      %get3A_1028 = tpu.vector_load %arg9[%get3A_1026, %get3A_1027] {strides = array<i32>} : memref<8x128xi32, #tpu.memory_space<vmem>>, vector<1x16xi32>,
      %get3A_1029 = vector.shape_cast %get3A_1028 : vector<1x16xi32> to vector<16xi32>
      %add3A_1030 = arith.addi %mul3A_1024, %get3A_1029 : vector<16xi32>
      %swap3A_1031 = arith.constant 6 : i32
      %swap3A_1032 = arith.index_cast %swap3A_1031 : i32 to index
      %swap3A_1033 = arith.constant 16 : index
      %swap3A_1034 = tpu.vector_load %arg9[%swap3A_1032, %swap3A_1033] {strides = array<i32>} : memref<8x128xi32, #tpu.memory_space<vmem>>, vector<1x16xi32>,
      %swap3A_1035 = vector.shape_cast %swap3A_1034 : vector<1x16xi32> to vector<16xi32>
      %swap3A_1036 = vector.shape_cast %add3A_1030 : vector<16xi32> to vector<1x16xi32>
      tpu.vector_store %arg9[%swap3A_1032, %swap3A_1033], %swap3A_1036 {strides = array<i32>} : memref<8x128xi32, #tpu.memory_space<vmem>>, vector<1x16xi32>,
      %get3A_1037 = arith.constant 6 : i32
      %get3A_1038 = arith.index_cast %get3A_1037 : i32 to index
      %get3A_1039 = arith.constant 32 : index
      %get3A_1040 = tpu.vector_load %arg10[%get3A_1038, %get3A_1039] {strides = array<i32>} : memref<8x128xi32, #tpu.memory_space<vmem>>, vector<1x16xi32>,
      %get3A_1041 = vector.shape_cast %get3A_1040 : vector<1x16xi32> to vector<16xi32>
      %mul3A_1042 = arith.constant 25 : i32
      %mul3A_1043 = vector.broadcast %mul3A_1042 : i32 to vector<16xi32>
      %mul3A_1044 = arith.muli %get3A_1041, %mul3A_1043 : vector<16xi32>
      %get3A_1045 = arith.constant 6 : i32
      %get3A_1046 = arith.index_cast %get3A_1045 : i32 to index
      %get3A_1047 = arith.constant 32 : index
      %get3A_1048 = tpu.vector_load %arg9[%get3A_1046, %get3A_1047] {strides = array<i32>} : memref<8x128xi32, #tpu.memory_space<vmem>>, vector<1x16xi32>,
      %get3A_1049 = vector.shape_cast %get3A_1048 : vector<1x16xi32> to vector<16xi32>
      %add3A_1050 = arith.addi %mul3A_1044, %get3A_1049 : vector<16xi32>
      %swap3A_1051 = arith.constant 6 : i32
      %swap3A_1052 = arith.index_cast %swap3A_1051 : i32 to index
      %swap3A_1053 = arith.constant 32 : index
      %swap3A_1054 = tpu.vector_load %arg9[%swap3A_1052, %swap3A_1053] {strides = array<i32>} : memref<8x128xi32, #tpu.memory_space<vmem>>, vector<1x16xi32>,
      %swap3A_1055 = vector.shape_cast %swap3A_1054 : vector<1x16xi32> to vector<16xi32>
      %swap3A_1056 = vector.shape_cast %add3A_1050 : vector<16xi32> to vector<1x16xi32>
      tpu.vector_store %arg9[%swap3A_1052, %swap3A_1053], %swap3A_1056 {strides = array<i32>} : memref<8x128xi32, #tpu.memory_space<vmem>>, vector<1x16xi32>,
      %get3A_1057 = arith.constant 6 : i32
      %get3A_1058 = arith.index_cast %get3A_1057 : i32 to index
      %get3A_1059 = arith.constant 48 : index
      %get3A_1060 = tpu.vector_load %arg10[%get3A_1058, %get3A_1059] {strides = array<i32>} : memref<8x128xi32, #tpu.memory_space<vmem>>, vector<1x16xi32>,
      %get3A_1061 = vector.shape_cast %get3A_1060 : vector<1x16xi32> to vector<16xi32>
      %mul3A_1062 = arith.constant 25 : i32
      %mul3A_1063 = vector.broadcast %mul3A_1062 : i32 to vector<16xi32>
      %mul3A_1064 = arith.muli %get3A_1061, %mul3A_1063 : vector<16xi32>
      %get3A_1065 = arith.constant 6 : i32
      %get3A_1066 = arith.index_cast %get3A_1065 : i32 to index
      %get3A_1067 = arith.constant 48 : index
      %get3A_1068 = tpu.vector_load %arg9[%get3A_1066, %get3A_1067] {strides = array<i32>} : memref<8x128xi32, #tpu.memory_space<vmem>>, vector<1x16xi32>,
      %get3A_1069 = vector.shape_cast %get3A_1068 : vector<1x16xi32> to vector<16xi32>
      %add3A_1070 = arith.addi %mul3A_1064, %get3A_1069 : vector<16xi32>
      %swap3A_1071 = arith.constant 6 : i32
      %swap3A_1072 = arith.index_cast %swap3A_1071 : i32 to index
      %swap3A_1073 = arith.constant 48 : index
      %swap3A_1074 = tpu.vector_load %arg9[%swap3A_1072, %swap3A_1073] {strides = array<i32>} : memref<8x128xi32, #tpu.memory_space<vmem>>, vector<1x16xi32>,
      %swap3A_1075 = vector.shape_cast %swap3A_1074 : vector<1x16xi32> to vector<16xi32>
      %swap3A_1076 = vector.shape_cast %add3A_1070 : vector<16xi32> to vector<1x16xi32>
      tpu.vector_store %arg9[%swap3A_1072, %swap3A_1073], %swap3A_1076 {strides = array<i32>} : memref<8x128xi32, #tpu.memory_space<vmem>>, vector<1x16xi32>,
      %get3A_1077 = arith.constant 6 : i32
      %get3A_1078 = arith.index_cast %get3A_1077 : i32 to index
      %get3A_1079 = arith.constant 64 : index
      %get3A_1080 = tpu.vector_load %arg10[%get3A_1078, %get3A_1079] {strides = array<i32>} : memref<8x128xi32, #tpu.memory_space<vmem>>, vector<1x16xi32>,
      %get3A_1081 = vector.shape_cast %get3A_1080 : vector<1x16xi32> to vector<16xi32>
      %mul3A_1082 = arith.constant 25 : i32
      %mul3A_1083 = vector.broadcast %mul3A_1082 : i32 to vector<16xi32>
      %mul3A_1084 = arith.muli %get3A_1081, %mul3A_1083 : vector<16xi32>
      %get3A_1085 = arith.constant 6 : i32
      %get3A_1086 = arith.index_cast %get3A_1085 : i32 to index
      %get3A_1087 = arith.constant 64 : index
      %get3A_1088 = tpu.vector_load %arg9[%get3A_1086, %get3A_1087] {strides = array<i32>} : memref<8x128xi32, #tpu.memory_space<vmem>>, vector<1x16xi32>,
      %get3A_1089 = vector.shape_cast %get3A_1088 : vector<1x16xi32> to vector<16xi32>
      %add3A_1090 = arith.addi %mul3A_1084, %get3A_1089 : vector<16xi32>
      %swap3A_1091 = arith.constant 6 : i32
      %swap3A_1092 = arith.index_cast %swap3A_1091 : i32 to index
      %swap3A_1093 = arith.constant 64 : index
      %swap3A_1094 = tpu.vector_load %arg9[%swap3A_1092, %swap3A_1093] {strides = array<i32>} : memref<8x128xi32, #tpu.memory_space<vmem>>, vector<1x16xi32>,
      %swap3A_1095 = vector.shape_cast %swap3A_1094 : vector<1x16xi32> to vector<16xi32>
      %swap3A_1096 = vector.shape_cast %add3A_1090 : vector<16xi32> to vector<1x16xi32>
      tpu.vector_store %arg9[%swap3A_1092, %swap3A_1093], %swap3A_1096 {strides = array<i32>} : memref<8x128xi32, #tpu.memory_space<vmem>>, vector<1x16xi32>,
      %get3A_1097 = arith.constant 6 : i32
      %get3A_1098 = arith.index_cast %get3A_1097 : i32 to index
      %get3A_1099 = arith.constant 80 : index
      %get3A_1100 = tpu.vector_load %arg10[%get3A_1098, %get3A_1099] {strides = array<i32>} : memref<8x128xi32, #tpu.memory_space<vmem>>, vector<1x16xi32>,
      %get3A_1101 = vector.shape_cast %get3A_1100 : vector<1x16xi32> to vector<16xi32>
      %mul3A_1102 = arith.constant 25 : i32
      %mul3A_1103 = vector.broadcast %mul3A_1102 : i32 to vector<16xi32>
      %mul3A_1104 = arith.muli %get3A_1101, %mul3A_1103 : vector<16xi32>
      %get3A_1105 = arith.constant 6 : i32
      %get3A_1106 = arith.index_cast %get3A_1105 : i32 to index
      %get3A_1107 = arith.constant 80 : index
      %get3A_1108 = tpu.vector_load %arg9[%get3A_1106, %get3A_1107] {strides = array<i32>} : memref<8x128xi32, #tpu.memory_space<vmem>>, vector<1x16xi32>,
      %get3A_1109 = vector.shape_cast %get3A_1108 : vector<1x16xi32> to vector<16xi32>
      %add3A_1110 = arith.addi %mul3A_1104, %get3A_1109 : vector<16xi32>
      %swap3A_1111 = arith.constant 6 : i32
      %swap3A_1112 = arith.index_cast %swap3A_1111 : i32 to index
      %swap3A_1113 = arith.constant 80 : index
      %swap3A_1114 = tpu.vector_load %arg9[%swap3A_1112, %swap3A_1113] {strides = array<i32>} : memref<8x128xi32, #tpu.memory_space<vmem>>, vector<1x16xi32>,
      %swap3A_1115 = vector.shape_cast %swap3A_1114 : vector<1x16xi32> to vector<16xi32>
      %swap3A_1116 = vector.shape_cast %add3A_1110 : vector<16xi32> to vector<1x16xi32>
      tpu.vector_store %arg9[%swap3A_1112, %swap3A_1113], %swap3A_1116 {strides = array<i32>} : memref<8x128xi32, #tpu.memory_space<vmem>>, vector<1x16xi32>,
      %get3A_1117 = arith.constant 6 : i32
      %get3A_1118 = arith.index_cast %get3A_1117 : i32 to index
      %get3A_1119 = arith.constant 96 : index
      %get3A_1120 = tpu.vector_load %arg10[%get3A_1118, %get3A_1119] {strides = array<i32>} : memref<8x128xi32, #tpu.memory_space<vmem>>, vector<1x16xi32>,
      %get3A_1121 = vector.shape_cast %get3A_1120 : vector<1x16xi32> to vector<16xi32>
      %mul3A_1122 = arith.constant 25 : i32
      %mul3A_1123 = vector.broadcast %mul3A_1122 : i32 to vector<16xi32>
      %mul3A_1124 = arith.muli %get3A_1121, %mul3A_1123 : vector<16xi32>
      %get3A_1125 = arith.constant 6 : i32
      %get3A_1126 = arith.index_cast %get3A_1125 : i32 to index
      %get3A_1127 = arith.constant 96 : index
      %get3A_1128 = tpu.vector_load %arg9[%get3A_1126, %get3A_1127] {strides = array<i32>} : memref<8x128xi32, #tpu.memory_space<vmem>>, vector<1x16xi32>,
      %get3A_1129 = vector.shape_cast %get3A_1128 : vector<1x16xi32> to vector<16xi32>
      %add3A_1130 = arith.addi %mul3A_1124, %get3A_1129 : vector<16xi32>
      %swap3A_1131 = arith.constant 6 : i32
      %swap3A_1132 = arith.index_cast %swap3A_1131 : i32 to index
      %swap3A_1133 = arith.constant 96 : index
      %swap3A_1134 = tpu.vector_load %arg9[%swap3A_1132, %swap3A_1133] {strides = array<i32>} : memref<8x128xi32, #tpu.memory_space<vmem>>, vector<1x16xi32>,
      %swap3A_1135 = vector.shape_cast %swap3A_1134 : vector<1x16xi32> to vector<16xi32>
      %swap3A_1136 = vector.shape_cast %add3A_1130 : vector<16xi32> to vector<1x16xi32>
      tpu.vector_store %arg9[%swap3A_1132, %swap3A_1133], %swap3A_1136 {strides = array<i32>} : memref<8x128xi32, #tpu.memory_space<vmem>>, vector<1x16xi32>,
      %get3A_1137 = arith.constant 6 : i32
      %get3A_1138 = arith.index_cast %get3A_1137 : i32 to index
      %get3A_1139 = arith.constant 112 : index
      %get3A_1140 = tpu.vector_load %arg10[%get3A_1138, %get3A_1139] {strides = array<i32>} : memref<8x128xi32, #tpu.memory_space<vmem>>, vector<1x16xi32>,
      %get3A_1141 = vector.shape_cast %get3A_1140 : vector<1x16xi32> to vector<16xi32>
      %mul3A_1142 = arith.constant 25 : i32
      %mul3A_1143 = vector.broadcast %mul3A_1142 : i32 to vector<16xi32>
      %mul3A_1144 = arith.muli %get3A_1141, %mul3A_1143 : vector<16xi32>
      %get3A_1145 = arith.constant 6 : i32
      %get3A_1146 = arith.index_cast %get3A_1145 : i32 to index
      %get3A_1147 = arith.constant 112 : index
      %get3A_1148 = tpu.vector_load %arg9[%get3A_1146, %get3A_1147] {strides = array<i32>} : memref<8x128xi32, #tpu.memory_space<vmem>>, vector<1x16xi32>,
      %get3A_1149 = vector.shape_cast %get3A_1148 : vector<1x16xi32> to vector<16xi32>
      %add3A_1150 = arith.addi %mul3A_1144, %get3A_1149 : vector<16xi32>
      %swap3A_1151 = arith.constant 6 : i32
      %swap3A_1152 = arith.index_cast %swap3A_1151 : i32 to index
      %swap3A_1153 = arith.constant 112 : index
      %swap3A_1154 = tpu.vector_load %arg9[%swap3A_1152, %swap3A_1153] {strides = array<i32>} : memref<8x128xi32, #tpu.memory_space<vmem>>, vector<1x16xi32>,
      %swap3A_1155 = vector.shape_cast %swap3A_1154 : vector<1x16xi32> to vector<16xi32>
      %swap3A_1156 = vector.shape_cast %add3A_1150 : vector<16xi32> to vector<1x16xi32>
      tpu.vector_store %arg9[%swap3A_1152, %swap3A_1153], %swap3A_1156 {strides = array<i32>} : memref<8x128xi32, #tpu.memory_space<vmem>>, vector<1x16xi32>,
      %get3A_1157 = arith.constant 7 : i32
      %get3A_1158 = arith.index_cast %get3A_1157 : i32 to index
      %get3A_1159 = arith.constant 0 : index
      %get3A_1160 = tpu.vector_load %arg10[%get3A_1158, %get3A_1159] {strides = array<i32>} : memref<8x128xi32, #tpu.memory_space<vmem>>, vector<1x16xi32>,
      %get3A_1161 = vector.shape_cast %get3A_1160 : vector<1x16xi32> to vector<16xi32>
      %mul3A_1162 = arith.constant 25 : i32
      %mul3A_1163 = vector.broadcast %mul3A_1162 : i32 to vector<16xi32>
      %mul3A_1164 = arith.muli %get3A_1161, %mul3A_1163 : vector<16xi32>
      %get3A_1165 = arith.constant 7 : i32
      %get3A_1166 = arith.index_cast %get3A_1165 : i32 to index
      %get3A_1167 = arith.constant 0 : index
      %get3A_1168 = tpu.vector_load %arg9[%get3A_1166, %get3A_1167] {strides = array<i32>} : memref<8x128xi32, #tpu.memory_space<vmem>>, vector<1x16xi32>,
      %get3A_1169 = vector.shape_cast %get3A_1168 : vector<1x16xi32> to vector<16xi32>
      %add3A_1170 = arith.addi %mul3A_1164, %get3A_1169 : vector<16xi32>
      %swap3A_1171 = arith.constant 7 : i32
      %swap3A_1172 = arith.index_cast %swap3A_1171 : i32 to index
      %swap3A_1173 = arith.constant 0 : index
      %swap3A_1174 = tpu.vector_load %arg9[%swap3A_1172, %swap3A_1173] {strides = array<i32>} : memref<8x128xi32, #tpu.memory_space<vmem>>, vector<1x16xi32>,
      %swap3A_1175 = vector.shape_cast %swap3A_1174 : vector<1x16xi32> to vector<16xi32>
      %swap3A_1176 = vector.shape_cast %add3A_1170 : vector<16xi32> to vector<1x16xi32>
      tpu.vector_store %arg9[%swap3A_1172, %swap3A_1173], %swap3A_1176 {strides = array<i32>} : memref<8x128xi32, #tpu.memory_space<vmem>>, vector<1x16xi32>,
      %get3A_1177 = arith.constant 7 : i32
      %get3A_1178 = arith.index_cast %get3A_1177 : i32 to index
      %get3A_1179 = arith.constant 16 : index
      %get3A_1180 = tpu.vector_load %arg10[%get3A_1178, %get3A_1179] {strides = array<i32>} : memref<8x128xi32, #tpu.memory_space<vmem>>, vector<1x16xi32>,
      %get3A_1181 = vector.shape_cast %get3A_1180 : vector<1x16xi32> to vector<16xi32>
      %mul3A_1182 = arith.constant 25 : i32
      %mul3A_1183 = vector.broadcast %mul3A_1182 : i32 to vector<16xi32>
      %mul3A_1184 = arith.muli %get3A_1181, %mul3A_1183 : vector<16xi32>
      %get3A_1185 = arith.constant 7 : i32
      %get3A_1186 = arith.index_cast %get3A_1185 : i32 to index
      %get3A_1187 = arith.constant 16 : index
      %get3A_1188 = tpu.vector_load %arg9[%get3A_1186, %get3A_1187] {strides = array<i32>} : memref<8x128xi32, #tpu.memory_space<vmem>>, vector<1x16xi32>,
      %get3A_1189 = vector.shape_cast %get3A_1188 : vector<1x16xi32> to vector<16xi32>
      %add3A_1190 = arith.addi %mul3A_1184, %get3A_1189 : vector<16xi32>
      %swap3A_1191 = arith.constant 7 : i32
      %swap3A_1192 = arith.index_cast %swap3A_1191 : i32 to index
      %swap3A_1193 = arith.constant 16 : index
      %swap3A_1194 = tpu.vector_load %arg9[%swap3A_1192, %swap3A_1193] {strides = array<i32>} : memref<8x128xi32, #tpu.memory_space<vmem>>, vector<1x16xi32>,
      %swap3A_1195 = vector.shape_cast %swap3A_1194 : vector<1x16xi32> to vector<16xi32>
      %swap3A_1196 = vector.shape_cast %add3A_1190 : vector<16xi32> to vector<1x16xi32>
      tpu.vector_store %arg9[%swap3A_1192, %swap3A_1193], %swap3A_1196 {strides = array<i32>} : memref<8x128xi32, #tpu.memory_space<vmem>>, vector<1x16xi32>,
      %get3A_1197 = arith.constant 7 : i32
      %get3A_1198 = arith.index_cast %get3A_1197 : i32 to index
      %get3A_1199 = arith.constant 32 : index
      %get3A_1200 = tpu.vector_load %arg10[%get3A_1198, %get3A_1199] {strides = array<i32>} : memref<8x128xi32, #tpu.memory_space<vmem>>, vector<1x16xi32>,
      %get3A_1201 = vector.shape_cast %get3A_1200 : vector<1x16xi32> to vector<16xi32>
      %mul3A_1202 = arith.constant 25 : i32
      %mul3A_1203 = vector.broadcast %mul3A_1202 : i32 to vector<16xi32>
      %mul3A_1204 = arith.muli %get3A_1201, %mul3A_1203 : vector<16xi32>
      %get3A_1205 = arith.constant 7 : i32
      %get3A_1206 = arith.index_cast %get3A_1205 : i32 to index
      %get3A_1207 = arith.constant 32 : index
      %get3A_1208 = tpu.vector_load %arg9[%get3A_1206, %get3A_1207] {strides = array<i32>} : memref<8x128xi32, #tpu.memory_space<vmem>>, vector<1x16xi32>,
      %get3A_1209 = vector.shape_cast %get3A_1208 : vector<1x16xi32> to vector<16xi32>
      %add3A_1210 = arith.addi %mul3A_1204, %get3A_1209 : vector<16xi32>
      %swap3A_1211 = arith.constant 7 : i32
      %swap3A_1212 = arith.index_cast %swap3A_1211 : i32 to index
      %swap3A_1213 = arith.constant 32 : index
      %swap3A_1214 = tpu.vector_load %arg9[%swap3A_1212, %swap3A_1213] {strides = array<i32>} : memref<8x128xi32, #tpu.memory_space<vmem>>, vector<1x16xi32>,
      %swap3A_1215 = vector.shape_cast %swap3A_1214 : vector<1x16xi32> to vector<16xi32>
      %swap3A_1216 = vector.shape_cast %add3A_1210 : vector<16xi32> to vector<1x16xi32>
      tpu.vector_store %arg9[%swap3A_1212, %swap3A_1213], %swap3A_1216 {strides = array<i32>} : memref<8x128xi32, #tpu.memory_space<vmem>>, vector<1x16xi32>,
      %get3A_1217 = arith.constant 7 : i32
      %get3A_1218 = arith.index_cast %get3A_1217 : i32 to index
      %get3A_1219 = arith.constant 48 : index
      %get3A_1220 = tpu.vector_load %arg10[%get3A_1218, %get3A_1219] {strides = array<i32>} : memref<8x128xi32, #tpu.memory_space<vmem>>, vector<1x16xi32>,
      %get3A_1221 = vector.shape_cast %get3A_1220 : vector<1x16xi32> to vector<16xi32>
      %mul3A_1222 = arith.constant 25 : i32
      %mul3A_1223 = vector.broadcast %mul3A_1222 : i32 to vector<16xi32>
      %mul3A_1224 = arith.muli %get3A_1221, %mul3A_1223 : vector<16xi32>
      %get3A_1225 = arith.constant 7 : i32
      %get3A_1226 = arith.index_cast %get3A_1225 : i32 to index
      %get3A_1227 = arith.constant 48 : index
      %get3A_1228 = tpu.vector_load %arg9[%get3A_1226, %get3A_1227] {strides = array<i32>} : memref<8x128xi32, #tpu.memory_space<vmem>>, vector<1x16xi32>,
      %get3A_1229 = vector.shape_cast %get3A_1228 : vector<1x16xi32> to vector<16xi32>
      %add3A_1230 = arith.addi %mul3A_1224, %get3A_1229 : vector<16xi32>
      %swap3A_1231 = arith.constant 7 : i32
      %swap3A_1232 = arith.index_cast %swap3A_1231 : i32 to index
      %swap3A_1233 = arith.constant 48 : index
      %swap3A_1234 = tpu.vector_load %arg9[%swap3A_1232, %swap3A_1233] {strides = array<i32>} : memref<8x128xi32, #tpu.memory_space<vmem>>, vector<1x16xi32>,
      %swap3A_1235 = vector.shape_cast %swap3A_1234 : vector<1x16xi32> to vector<16xi32>
      %swap3A_1236 = vector.shape_cast %add3A_1230 : vector<16xi32> to vector<1x16xi32>
      tpu.vector_store %arg9[%swap3A_1232, %swap3A_1233], %swap3A_1236 {strides = array<i32>} : memref<8x128xi32, #tpu.memory_space<vmem>>, vector<1x16xi32>,
      %get3A_1237 = arith.constant 7 : i32
      %get3A_1238 = arith.index_cast %get3A_1237 : i32 to index
      %get3A_1239 = arith.constant 64 : index
      %get3A_1240 = tpu.vector_load %arg10[%get3A_1238, %get3A_1239] {strides = array<i32>} : memref<8x128xi32, #tpu.memory_space<vmem>>, vector<1x16xi32>,
      %get3A_1241 = vector.shape_cast %get3A_1240 : vector<1x16xi32> to vector<16xi32>
      %mul3A_1242 = arith.constant 25 : i32
      %mul3A_1243 = vector.broadcast %mul3A_1242 : i32 to vector<16xi32>
      %mul3A_1244 = arith.muli %get3A_1241, %mul3A_1243 : vector<16xi32>
      %get3A_1245 = arith.constant 7 : i32
      %get3A_1246 = arith.index_cast %get3A_1245 : i32 to index
      %get3A_1247 = arith.constant 64 : index
      %get3A_1248 = tpu.vector_load %arg9[%get3A_1246, %get3A_1247] {strides = array<i32>} : memref<8x128xi32, #tpu.memory_space<vmem>>, vector<1x16xi32>,
      %get3A_1249 = vector.shape_cast %get3A_1248 : vector<1x16xi32> to vector<16xi32>
      %add3A_1250 = arith.addi %mul3A_1244, %get3A_1249 : vector<16xi32>
      %swap3A_1251 = arith.constant 7 : i32
      %swap3A_1252 = arith.index_cast %swap3A_1251 : i32 to index
      %swap3A_1253 = arith.constant 64 : index
      %swap3A_1254 = tpu.vector_load %arg9[%swap3A_1252, %swap3A_1253] {strides = array<i32>} : memref<8x128xi32, #tpu.memory_space<vmem>>, vector<1x16xi32>,
      %swap3A_1255 = vector.shape_cast %swap3A_1254 : vector<1x16xi32> to vector<16xi32>
      %swap3A_1256 = vector.shape_cast %add3A_1250 : vector<16xi32> to vector<1x16xi32>
      tpu.vector_store %arg9[%swap3A_1252, %swap3A_1253], %swap3A_1256 {strides = array<i32>} : memref<8x128xi32, #tpu.memory_space<vmem>>, vector<1x16xi32>,
      %get3A_1257 = arith.constant 7 : i32
      %get3A_1258 = arith.index_cast %get3A_1257 : i32 to index
      %get3A_1259 = arith.constant 80 : index
      %get3A_1260 = tpu.vector_load %arg10[%get3A_1258, %get3A_1259] {strides = array<i32>} : memref<8x128xi32, #tpu.memory_space<vmem>>, vector<1x16xi32>,
      %get3A_1261 = vector.shape_cast %get3A_1260 : vector<1x16xi32> to vector<16xi32>
      %mul3A_1262 = arith.constant 25 : i32
      %mul3A_1263 = vector.broadcast %mul3A_1262 : i32 to vector<16xi32>
      %mul3A_1264 = arith.muli %get3A_1261, %mul3A_1263 : vector<16xi32>
      %get3A_1265 = arith.constant 7 : i32
      %get3A_1266 = arith.index_cast %get3A_1265 : i32 to index
      %get3A_1267 = arith.constant 80 : index
      %get3A_1268 = tpu.vector_load %arg9[%get3A_1266, %get3A_1267] {strides = array<i32>} : memref<8x128xi32, #tpu.memory_space<vmem>>, vector<1x16xi32>,
      %get3A_1269 = vector.shape_cast %get3A_1268 : vector<1x16xi32> to vector<16xi32>
      %add3A_1270 = arith.addi %mul3A_1264, %get3A_1269 : vector<16xi32>
      %swap3A_1271 = arith.constant 7 : i32
      %swap3A_1272 = arith.index_cast %swap3A_1271 : i32 to index
      %swap3A_1273 = arith.constant 80 : index
      %swap3A_1274 = tpu.vector_load %arg9[%swap3A_1272, %swap3A_1273] {strides = array<i32>} : memref<8x128xi32, #tpu.memory_space<vmem>>, vector<1x16xi32>,
      %swap3A_1275 = vector.shape_cast %swap3A_1274 : vector<1x16xi32> to vector<16xi32>
      %swap3A_1276 = vector.shape_cast %add3A_1270 : vector<16xi32> to vector<1x16xi32>
      tpu.vector_store %arg9[%swap3A_1272, %swap3A_1273], %swap3A_1276 {strides = array<i32>} : memref<8x128xi32, #tpu.memory_space<vmem>>, vector<1x16xi32>,
      %get3A_1277 = arith.constant 7 : i32
      %get3A_1278 = arith.index_cast %get3A_1277 : i32 to index
      %get3A_1279 = arith.constant 96 : index
      %get3A_1280 = tpu.vector_load %arg10[%get3A_1278, %get3A_1279] {strides = array<i32>} : memref<8x128xi32, #tpu.memory_space<vmem>>, vector<1x16xi32>,
      %get3A_1281 = vector.shape_cast %get3A_1280 : vector<1x16xi32> to vector<16xi32>
      %mul3A_1282 = arith.constant 25 : i32
      %mul3A_1283 = vector.broadcast %mul3A_1282 : i32 to vector<16xi32>
      %mul3A_1284 = arith.muli %get3A_1281, %mul3A_1283 : vector<16xi32>
      %get3A_1285 = arith.constant 7 : i32
      %get3A_1286 = arith.index_cast %get3A_1285 : i32 to index
      %get3A_1287 = arith.constant 96 : index
      %get3A_1288 = tpu.vector_load %arg9[%get3A_1286, %get3A_1287] {strides = array<i32>} : memref<8x128xi32, #tpu.memory_space<vmem>>, vector<1x16xi32>,
      %get3A_1289 = vector.shape_cast %get3A_1288 : vector<1x16xi32> to vector<16xi32>
      %add3A_1290 = arith.addi %mul3A_1284, %get3A_1289 : vector<16xi32>
      %swap3A_1291 = arith.constant 7 : i32
      %swap3A_1292 = arith.index_cast %swap3A_1291 : i32 to index
      %swap3A_1293 = arith.constant 96 : index
      %swap3A_1294 = tpu.vector_load %arg9[%swap3A_1292, %swap3A_1293] {strides = array<i32>} : memref<8x128xi32, #tpu.memory_space<vmem>>, vector<1x16xi32>,
      %swap3A_1295 = vector.shape_cast %swap3A_1294 : vector<1x16xi32> to vector<16xi32>
      %swap3A_1296 = vector.shape_cast %add3A_1290 : vector<16xi32> to vector<1x16xi32>
      tpu.vector_store %arg9[%swap3A_1292, %swap3A_1293], %swap3A_1296 {strides = array<i32>} : memref<8x128xi32, #tpu.memory_space<vmem>>, vector<1x16xi32>,
      %get3A_1297 = arith.constant 7 : i32
      %get3A_1298 = arith.index_cast %get3A_1297 : i32 to index
      %get3A_1299 = arith.constant 112 : index
      %get3A_1300 = tpu.vector_load %arg10[%get3A_1298, %get3A_1299] {strides = array<i32>} : memref<8x128xi32, #tpu.memory_space<vmem>>, vector<1x16xi32>,
      %get3A_1301 = vector.shape_cast %get3A_1300 : vector<1x16xi32> to vector<16xi32>
      %mul3A_1302 = arith.constant 25 : i32
      %mul3A_1303 = vector.broadcast %mul3A_1302 : i32 to vector<16xi32>
      %mul3A_1304 = arith.muli %get3A_1301, %mul3A_1303 : vector<16xi32>
      %get3A_1305 = arith.constant 7 : i32
      %get3A_1306 = arith.index_cast %get3A_1305 : i32 to index
      %get3A_1307 = arith.constant 112 : index
      %get3A_1308 = tpu.vector_load %arg9[%get3A_1306, %get3A_1307] {strides = array<i32>} : memref<8x128xi32, #tpu.memory_space<vmem>>, vector<1x16xi32>,
      %get3A_1309 = vector.shape_cast %get3A_1308 : vector<1x16xi32> to vector<16xi32>
      %add3A_1310 = arith.addi %mul3A_1304, %get3A_1309 : vector<16xi32>
      %swap3A_1311 = arith.constant 7 : i32
      %swap3A_1312 = arith.index_cast %swap3A_1311 : i32 to index
      %swap3A_1313 = arith.constant 112 : index
      %swap3A_1314 = tpu.vector_load %arg9[%swap3A_1312, %swap3A_1313] {strides = array<i32>} : memref<8x128xi32, #tpu.memory_space<vmem>>, vector<1x16xi32>,
      %swap3A_1315 = vector.shape_cast %swap3A_1314 : vector<1x16xi32> to vector<16xi32>
      %swap3A_1316 = vector.shape_cast %add3A_1310 : vector<16xi32> to vector<1x16xi32>
      tpu.vector_store %arg9[%swap3A_1312, %swap3A_1313], %swap3A_1316 {strides = array<i32>} : memref<8x128xi32, #tpu.memory_space<vmem>>, vector<1x16xi32>,
      %dma_start3A_1317 = arith.constant 0 : i32
      %dma_start3A_1318 = arith.constant 0 : i32
      %dma_start3A_1319 = arith.constant 0 : i32
      %dma_start3A_1320 = tpu.memref_slice %arg11[%dma_start3A_1318, %dma_start3A_1319] : memref<1024x64xf32, #tpu.memory_space<vmem>> -> memref<128x64xf32, #tpu.memory_space<vmem>>
      %dma_start3A_1321 = arith.constant 0 : i32
      %dma_start3A_1322 = tpu.memref_slice %arg8[%dma_start3A_1317, %dma_start3A_1321] : memref<8x128xi32, #tpu.memory_space<vmem>> -> memref<1x128xi32, #tpu.memory_space<vmem>>
      %dma_start3A_1323 = tpu.memref_squeeze %dma_start3A_1322 : memref<1x128xi32, #tpu.memory_space<vmem>> -> memref<128xi32, #tpu.memory_space<vmem>>
      %dma_start3A_1324 = arith.constant 0 : i32
      %dma_start3A_1325 = arith.constant 0 : i32
      %dma_start3A_1326 = tpu.memref_slice %arg5[%dma_start3A_1324, %dma_start3A_1325] : memref<1000000x64xf32, #tpu.memory_space<hbm>> -> memref<1000000x64xf32, #tpu.memory_space<hbm>>
      tpu.enqueue_indirect_dma source(%dma_start3A_1326 : memref<1000000x64xf32, #tpu.memory_space<hbm>>) target(%dma_start3A_1320 : memref<128x64xf32, #tpu.memory_space<vmem>>) offsets(%dma_start3A_1323 : memref<128xi32, #tpu.memory_space<vmem>>) semaphore(%arg12 : memref<!tpu.dma_semaphore, #tpu.memory_space<semaphore_mem>>)
      %dma_start3A_1327 = arith.constant 1 : i32
      %dma_start3A_1328 = arith.constant 128 : i32
      %dma_start3A_1329 = arith.constant 0 : i32
      %dma_start3A_1330 = tpu.memref_slice %arg11[%dma_start3A_1328, %dma_start3A_1329] : memref<1024x64xf32, #tpu.memory_space<vmem>> -> memref<128x64xf32, #tpu.memory_space<vmem>>
      %dma_start3A_1331 = arith.constant 0 : i32
      %dma_start3A_1332 = tpu.memref_slice %arg8[%dma_start3A_1327, %dma_start3A_1331] : memref<8x128xi32, #tpu.memory_space<vmem>> -> memref<1x128xi32, #tpu.memory_space<vmem>>
      %dma_start3A_1333 = tpu.memref_squeeze %dma_start3A_1332 : memref<1x128xi32, #tpu.memory_space<vmem>> -> memref<128xi32, #tpu.memory_space<vmem>>
      %dma_start3A_1334 = arith.constant 0 : i32
      %dma_start3A_1335 = arith.constant 0 : i32
      %dma_start3A_1336 = tpu.memref_slice %arg5[%dma_start3A_1334, %dma_start3A_1335] : memref<1000000x64xf32, #tpu.memory_space<hbm>> -> memref<1000000x64xf32, #tpu.memory_space<hbm>>
      tpu.enqueue_indirect_dma source(%dma_start3A_1336 : memref<1000000x64xf32, #tpu.memory_space<hbm>>) target(%dma_start3A_1330 : memref<128x64xf32, #tpu.memory_space<vmem>>) offsets(%dma_start3A_1333 : memref<128xi32, #tpu.memory_space<vmem>>) semaphore(%arg12 : memref<!tpu.dma_semaphore, #tpu.memory_space<semaphore_mem>>)
      %dma_start3A_1337 = arith.constant 2 : i32
      %dma_start3A_1338 = arith.constant 256 : i32
      %dma_start3A_1339 = arith.constant 0 : i32
      %dma_start3A_1340 = tpu.memref_slice %arg11[%dma_start3A_1338, %dma_start3A_1339] : memref<1024x64xf32, #tpu.memory_space<vmem>> -> memref<128x64xf32, #tpu.memory_space<vmem>>
      %dma_start3A_1341 = arith.constant 0 : i32
      %dma_start3A_1342 = tpu.memref_slice %arg8[%dma_start3A_1337, %dma_start3A_1341] : memref<8x128xi32, #tpu.memory_space<vmem>> -> memref<1x128xi32, #tpu.memory_space<vmem>>
      %dma_start3A_1343 = tpu.memref_squeeze %dma_start3A_1342 : memref<1x128xi32, #tpu.memory_space<vmem>> -> memref<128xi32, #tpu.memory_space<vmem>>
      %dma_start3A_1344 = arith.constant 0 : i32
      %dma_start3A_1345 = arith.constant 0 : i32
      %dma_start3A_1346 = tpu.memref_slice %arg5[%dma_start3A_1344, %dma_start3A_1345] : memref<1000000x64xf32, #tpu.memory_space<hbm>> -> memref<1000000x64xf32, #tpu.memory_space<hbm>>
      tpu.enqueue_indirect_dma source(%dma_start3A_1346 : memref<1000000x64xf32, #tpu.memory_space<hbm>>) target(%dma_start3A_1340 : memref<128x64xf32, #tpu.memory_space<vmem>>) offsets(%dma_start3A_1343 : memref<128xi32, #tpu.memory_space<vmem>>) semaphore(%arg12 : memref<!tpu.dma_semaphore, #tpu.memory_space<semaphore_mem>>)
      %dma_start3A_1347 = arith.constant 3 : i32
      %dma_start3A_1348 = arith.constant 384 : i32
      %dma_start3A_1349 = arith.constant 0 : i32
      %dma_start3A_1350 = tpu.memref_slice %arg11[%dma_start3A_1348, %dma_start3A_1349] : memref<1024x64xf32, #tpu.memory_space<vmem>> -> memref<128x64xf32, #tpu.memory_space<vmem>>
      %dma_start3A_1351 = arith.constant 0 : i32
      %dma_start3A_1352 = tpu.memref_slice %arg8[%dma_start3A_1347, %dma_start3A_1351] : memref<8x128xi32, #tpu.memory_space<vmem>> -> memref<1x128xi32, #tpu.memory_space<vmem>>
      %dma_start3A_1353 = tpu.memref_squeeze %dma_start3A_1352 : memref<1x128xi32, #tpu.memory_space<vmem>> -> memref<128xi32, #tpu.memory_space<vmem>>
      %dma_start3A_1354 = arith.constant 0 : i32
      %dma_start3A_1355 = arith.constant 0 : i32
      %dma_start3A_1356 = tpu.memref_slice %arg5[%dma_start3A_1354, %dma_start3A_1355] : memref<1000000x64xf32, #tpu.memory_space<hbm>> -> memref<1000000x64xf32, #tpu.memory_space<hbm>>
      tpu.enqueue_indirect_dma source(%dma_start3A_1356 : memref<1000000x64xf32, #tpu.memory_space<hbm>>) target(%dma_start3A_1350 : memref<128x64xf32, #tpu.memory_space<vmem>>) offsets(%dma_start3A_1353 : memref<128xi32, #tpu.memory_space<vmem>>) semaphore(%arg12 : memref<!tpu.dma_semaphore, #tpu.memory_space<semaphore_mem>>)
      %dma_start3A_1357 = arith.constant 4 : i32
      %dma_start3A_1358 = arith.constant 512 : i32
      %dma_start3A_1359 = arith.constant 0 : i32
      %dma_start3A_1360 = tpu.memref_slice %arg11[%dma_start3A_1358, %dma_start3A_1359] : memref<1024x64xf32, #tpu.memory_space<vmem>> -> memref<128x64xf32, #tpu.memory_space<vmem>>
      %dma_start3A_1361 = arith.constant 0 : i32
      %dma_start3A_1362 = tpu.memref_slice %arg8[%dma_start3A_1357, %dma_start3A_1361] : memref<8x128xi32, #tpu.memory_space<vmem>> -> memref<1x128xi32, #tpu.memory_space<vmem>>
      %dma_start3A_1363 = tpu.memref_squeeze %dma_start3A_1362 : memref<1x128xi32, #tpu.memory_space<vmem>> -> memref<128xi32, #tpu.memory_space<vmem>>
      %dma_start3A_1364 = arith.constant 0 : i32
      %dma_start3A_1365 = arith.constant 0 : i32
      %dma_start3A_1366 = tpu.memref_slice %arg5[%dma_start3A_1364, %dma_start3A_1365] : memref<1000000x64xf32, #tpu.memory_space<hbm>> -> memref<1000000x64xf32, #tpu.memory_space<hbm>>
      tpu.enqueue_indirect_dma source(%dma_start3A_1366 : memref<1000000x64xf32, #tpu.memory_space<hbm>>) target(%dma_start3A_1360 : memref<128x64xf32, #tpu.memory_space<vmem>>) offsets(%dma_start3A_1363 : memref<128xi32, #tpu.memory_space<vmem>>) semaphore(%arg12 : memref<!tpu.dma_semaphore, #tpu.memory_space<semaphore_mem>>)
      %dma_start3A_1367 = arith.constant 5 : i32
      %dma_start3A_1368 = arith.constant 640 : i32
      %dma_start3A_1369 = arith.constant 0 : i32
      %dma_start3A_1370 = tpu.memref_slice %arg11[%dma_start3A_1368, %dma_start3A_1369] : memref<1024x64xf32, #tpu.memory_space<vmem>> -> memref<128x64xf32, #tpu.memory_space<vmem>>
      %dma_start3A_1371 = arith.constant 0 : i32
      %dma_start3A_1372 = tpu.memref_slice %arg8[%dma_start3A_1367, %dma_start3A_1371] : memref<8x128xi32, #tpu.memory_space<vmem>> -> memref<1x128xi32, #tpu.memory_space<vmem>>
      %dma_start3A_1373 = tpu.memref_squeeze %dma_start3A_1372 : memref<1x128xi32, #tpu.memory_space<vmem>> -> memref<128xi32, #tpu.memory_space<vmem>>
      %dma_start3A_1374 = arith.constant 0 : i32
      %dma_start3A_1375 = arith.constant 0 : i32
      %dma_start3A_1376 = tpu.memref_slice %arg5[%dma_start3A_1374, %dma_start3A_1375] : memref<1000000x64xf32, #tpu.memory_space<hbm>> -> memref<1000000x64xf32, #tpu.memory_space<hbm>>
      tpu.enqueue_indirect_dma source(%dma_start3A_1376 : memref<1000000x64xf32, #tpu.memory_space<hbm>>) target(%dma_start3A_1370 : memref<128x64xf32, #tpu.memory_space<vmem>>) offsets(%dma_start3A_1373 : memref<128xi32, #tpu.memory_space<vmem>>) semaphore(%arg12 : memref<!tpu.dma_semaphore, #tpu.memory_space<semaphore_mem>>)
      %dma_start3A_1377 = arith.constant 6 : i32
      %dma_start3A_1378 = arith.constant 768 : i32
      %dma_start3A_1379 = arith.constant 0 : i32
      %dma_start3A_1380 = tpu.memref_slice %arg11[%dma_start3A_1378, %dma_start3A_1379] : memref<1024x64xf32, #tpu.memory_space<vmem>> -> memref<128x64xf32, #tpu.memory_space<vmem>>
      %dma_start3A_1381 = arith.constant 0 : i32
      %dma_start3A_1382 = tpu.memref_slice %arg8[%dma_start3A_1377, %dma_start3A_1381] : memref<8x128xi32, #tpu.memory_space<vmem>> -> memref<1x128xi32, #tpu.memory_space<vmem>>
      %dma_start3A_1383 = tpu.memref_squeeze %dma_start3A_1382 : memref<1x128xi32, #tpu.memory_space<vmem>> -> memref<128xi32, #tpu.memory_space<vmem>>
      %dma_start3A_1384 = arith.constant 0 : i32
      %dma_start3A_1385 = arith.constant 0 : i32
      %dma_start3A_1386 = tpu.memref_slice %arg5[%dma_start3A_1384, %dma_start3A_1385] : memref<1000000x64xf32, #tpu.memory_space<hbm>> -> memref<1000000x64xf32, #tpu.memory_space<hbm>>
      tpu.enqueue_indirect_dma source(%dma_start3A_1386 : memref<1000000x64xf32, #tpu.memory_space<hbm>>) target(%dma_start3A_1380 : memref<128x64xf32, #tpu.memory_space<vmem>>) offsets(%dma_start3A_1383 : memref<128xi32, #tpu.memory_space<vmem>>) semaphore(%arg12 : memref<!tpu.dma_semaphore, #tpu.memory_space<semaphore_mem>>)
      %dma_start3A_1387 = arith.constant 7 : i32
      %dma_start3A_1388 = arith.constant 896 : i32
      %dma_start3A_1389 = arith.constant 0 : i32
      %dma_start3A_1390 = tpu.memref_slice %arg11[%dma_start3A_1388, %dma_start3A_1389] : memref<1024x64xf32, #tpu.memory_space<vmem>> -> memref<128x64xf32, #tpu.memory_space<vmem>>
      %dma_start3A_1391 = arith.constant 0 : i32
      %dma_start3A_1392 = tpu.memref_slice %arg8[%dma_start3A_1387, %dma_start3A_1391] : memref<8x128xi32, #tpu.memory_space<vmem>> -> memref<1x128xi32, #tpu.memory_space<vmem>>
      %dma_start3A_1393 = tpu.memref_squeeze %dma_start3A_1392 : memref<1x128xi32, #tpu.memory_space<vmem>> -> memref<128xi32, #tpu.memory_space<vmem>>
      %dma_start3A_1394 = arith.constant 0 : i32
      %dma_start3A_1395 = arith.constant 0 : i32
      %dma_start3A_1396 = tpu.memref_slice %arg5[%dma_start3A_1394, %dma_start3A_1395] : memref<1000000x64xf32, #tpu.memory_space<hbm>> -> memref<1000000x64xf32, #tpu.memory_space<hbm>>
      tpu.enqueue_indirect_dma source(%dma_start3A_1396 : memref<1000000x64xf32, #tpu.memory_space<hbm>>) target(%dma_start3A_1390 : memref<128x64xf32, #tpu.memory_space<vmem>>) offsets(%dma_start3A_1393 : memref<128xi32, #tpu.memory_space<vmem>>) semaphore(%arg12 : memref<!tpu.dma_semaphore, #tpu.memory_space<semaphore_mem>>)
      %dma_wait3A_1397 = arith.constant 0 : i32
      %dma_wait3A_1398 = arith.constant 0 : i32
      %dma_wait3A_1399 = arith.constant 0 : i32
      %dma_wait3A_1400 = tpu.memref_slice %arg11[%dma_wait3A_1398, %dma_wait3A_1399] : memref<1024x64xf32, #tpu.memory_space<vmem>> -> memref<128x64xf32, #tpu.memory_space<vmem>>
      %dma_wait3A_1401 = arith.constant 0 : i32
      %dma_wait3A_1402 = tpu.memref_slice %arg8[%dma_wait3A_1397, %dma_wait3A_1401] : memref<8x128xi32, #tpu.memory_space<vmem>> -> memref<1x128xi32, #tpu.memory_space<vmem>>
      %dma_wait3A_1403 = tpu.memref_squeeze %dma_wait3A_1402 : memref<1x128xi32, #tpu.memory_space<vmem>> -> memref<128xi32, #tpu.memory_space<vmem>>
      %dma_wait3A_1404 = arith.constant 0 : i32
      %dma_wait3A_1405 = arith.constant 0 : i32
      %dma_wait3A_1406 = tpu.memref_slice %arg5[%dma_wait3A_1404, %dma_wait3A_1405] : memref<1000000x64xf32, #tpu.memory_space<hbm>> -> memref<1000000x64xf32, #tpu.memory_space<hbm>>
      tpu.wait_indirect_dma semaphore(%arg12 : memref<!tpu.dma_semaphore, #tpu.memory_space<semaphore_mem>>) src(%dma_wait3A_1406 : memref<1000000x64xf32, #tpu.memory_space<hbm>>) dst(%dma_wait3A_1400 : memref<128x64xf32, #tpu.memory_space<vmem>>)
      %dma_wait3A_1407 = arith.constant 1 : i32
      %dma_wait3A_1408 = arith.constant 128 : i32
      %dma_wait3A_1409 = arith.constant 0 : i32
      %dma_wait3A_1410 = tpu.memref_slice %arg11[%dma_wait3A_1408, %dma_wait3A_1409] : memref<1024x64xf32, #tpu.memory_space<vmem>> -> memref<128x64xf32, #tpu.memory_space<vmem>>
      %dma_wait3A_1411 = arith.constant 0 : i32
      %dma_wait3A_1412 = tpu.memref_slice %arg8[%dma_wait3A_1407, %dma_wait3A_1411] : memref<8x128xi32, #tpu.memory_space<vmem>> -> memref<1x128xi32, #tpu.memory_space<vmem>>
      %dma_wait3A_1413 = tpu.memref_squeeze %dma_wait3A_1412 : memref<1x128xi32, #tpu.memory_space<vmem>> -> memref<128xi32, #tpu.memory_space<vmem>>
      %dma_wait3A_1414 = arith.constant 0 : i32
      %dma_wait3A_1415 = arith.constant 0 : i32
      %dma_wait3A_1416 = tpu.memref_slice %arg5[%dma_wait3A_1414, %dma_wait3A_1415] : memref<1000000x64xf32, #tpu.memory_space<hbm>> -> memref<1000000x64xf32, #tpu.memory_space<hbm>>
      tpu.wait_indirect_dma semaphore(%arg12 : memref<!tpu.dma_semaphore, #tpu.memory_space<semaphore_mem>>) src(%dma_wait3A_1416 : memref<1000000x64xf32, #tpu.memory_space<hbm>>) dst(%dma_wait3A_1410 : memref<128x64xf32, #tpu.memory_space<vmem>>)
      %dma_wait3A_1417 = arith.constant 2 : i32
      %dma_wait3A_1418 = arith.constant 256 : i32
      %dma_wait3A_1419 = arith.constant 0 : i32
      %dma_wait3A_1420 = tpu.memref_slice %arg11[%dma_wait3A_1418, %dma_wait3A_1419] : memref<1024x64xf32, #tpu.memory_space<vmem>> -> memref<128x64xf32, #tpu.memory_space<vmem>>
      %dma_wait3A_1421 = arith.constant 0 : i32
      %dma_wait3A_1422 = tpu.memref_slice %arg8[%dma_wait3A_1417, %dma_wait3A_1421] : memref<8x128xi32, #tpu.memory_space<vmem>> -> memref<1x128xi32, #tpu.memory_space<vmem>>
      %dma_wait3A_1423 = tpu.memref_squeeze %dma_wait3A_1422 : memref<1x128xi32, #tpu.memory_space<vmem>> -> memref<128xi32, #tpu.memory_space<vmem>>
      %dma_wait3A_1424 = arith.constant 0 : i32
      %dma_wait3A_1425 = arith.constant 0 : i32
      %dma_wait3A_1426 = tpu.memref_slice %arg5[%dma_wait3A_1424, %dma_wait3A_1425] : memref<1000000x64xf32, #tpu.memory_space<hbm>> -> memref<1000000x64xf32, #tpu.memory_space<hbm>>
      tpu.wait_indirect_dma semaphore(%arg12 : memref<!tpu.dma_semaphore, #tpu.memory_space<semaphore_mem>>) src(%dma_wait3A_1426 : memref<1000000x64xf32, #tpu.memory_space<hbm>>) dst(%dma_wait3A_1420 : memref<128x64xf32, #tpu.memory_space<vmem>>)
      %dma_wait3A_1427 = arith.constant 3 : i32
      %dma_wait3A_1428 = arith.constant 384 : i32
      %dma_wait3A_1429 = arith.constant 0 : i32
      %dma_wait3A_1430 = tpu.memref_slice %arg11[%dma_wait3A_1428, %dma_wait3A_1429] : memref<1024x64xf32, #tpu.memory_space<vmem>> -> memref<128x64xf32, #tpu.memory_space<vmem>>
      %dma_wait3A_1431 = arith.constant 0 : i32
      %dma_wait3A_1432 = tpu.memref_slice %arg8[%dma_wait3A_1427, %dma_wait3A_1431] : memref<8x128xi32, #tpu.memory_space<vmem>> -> memref<1x128xi32, #tpu.memory_space<vmem>>
      %dma_wait3A_1433 = tpu.memref_squeeze %dma_wait3A_1432 : memref<1x128xi32, #tpu.memory_space<vmem>> -> memref<128xi32, #tpu.memory_space<vmem>>
      %dma_wait3A_1434 = arith.constant 0 : i32
      %dma_wait3A_1435 = arith.constant 0 : i32
      %dma_wait3A_1436 = tpu.memref_slice %arg5[%dma_wait3A_1434, %dma_wait3A_1435] : memref<1000000x64xf32, #tpu.memory_space<hbm>> -> memref<1000000x64xf32, #tpu.memory_space<hbm>>
      tpu.wait_indirect_dma semaphore(%arg12 : memref<!tpu.dma_semaphore, #tpu.memory_space<semaphore_mem>>) src(%dma_wait3A_1436 : memref<1000000x64xf32, #tpu.memory_space<hbm>>) dst(%dma_wait3A_1430 : memref<128x64xf32, #tpu.memory_space<vmem>>)
      %dma_wait3A_1437 = arith.constant 4 : i32
      %dma_wait3A_1438 = arith.constant 512 : i32
      %dma_wait3A_1439 = arith.constant 0 : i32
      %dma_wait3A_1440 = tpu.memref_slice %arg11[%dma_wait3A_1438, %dma_wait3A_1439] : memref<1024x64xf32, #tpu.memory_space<vmem>> -> memref<128x64xf32, #tpu.memory_space<vmem>>
      %dma_wait3A_1441 = arith.constant 0 : i32
      %dma_wait3A_1442 = tpu.memref_slice %arg8[%dma_wait3A_1437, %dma_wait3A_1441] : memref<8x128xi32, #tpu.memory_space<vmem>> -> memref<1x128xi32, #tpu.memory_space<vmem>>
      %dma_wait3A_1443 = tpu.memref_squeeze %dma_wait3A_1442 : memref<1x128xi32, #tpu.memory_space<vmem>> -> memref<128xi32, #tpu.memory_space<vmem>>
      %dma_wait3A_1444 = arith.constant 0 : i32
      %dma_wait3A_1445 = arith.constant 0 : i32
      %dma_wait3A_1446 = tpu.memref_slice %arg5[%dma_wait3A_1444, %dma_wait3A_1445] : memref<1000000x64xf32, #tpu.memory_space<hbm>> -> memref<1000000x64xf32, #tpu.memory_space<hbm>>
      tpu.wait_indirect_dma semaphore(%arg12 : memref<!tpu.dma_semaphore, #tpu.memory_space<semaphore_mem>>) src(%dma_wait3A_1446 : memref<1000000x64xf32, #tpu.memory_space<hbm>>) dst(%dma_wait3A_1440 : memref<128x64xf32, #tpu.memory_space<vmem>>)
      %dma_wait3A_1447 = arith.constant 5 : i32
      %dma_wait3A_1448 = arith.constant 640 : i32
      %dma_wait3A_1449 = arith.constant 0 : i32
      %dma_wait3A_1450 = tpu.memref_slice %arg11[%dma_wait3A_1448, %dma_wait3A_1449] : memref<1024x64xf32, #tpu.memory_space<vmem>> -> memref<128x64xf32, #tpu.memory_space<vmem>>
      %dma_wait3A_1451 = arith.constant 0 : i32
      %dma_wait3A_1452 = tpu.memref_slice %arg8[%dma_wait3A_1447, %dma_wait3A_1451] : memref<8x128xi32, #tpu.memory_space<vmem>> -> memref<1x128xi32, #tpu.memory_space<vmem>>
      %dma_wait3A_1453 = tpu.memref_squeeze %dma_wait3A_1452 : memref<1x128xi32, #tpu.memory_space<vmem>> -> memref<128xi32, #tpu.memory_space<vmem>>
      %dma_wait3A_1454 = arith.constant 0 : i32
      %dma_wait3A_1455 = arith.constant 0 : i32
      %dma_wait3A_1456 = tpu.memref_slice %arg5[%dma_wait3A_1454, %dma_wait3A_1455] : memref<1000000x64xf32, #tpu.memory_space<hbm>> -> memref<1000000x64xf32, #tpu.memory_space<hbm>>
      tpu.wait_indirect_dma semaphore(%arg12 : memref<!tpu.dma_semaphore, #tpu.memory_space<semaphore_mem>>) src(%dma_wait3A_1456 : memref<1000000x64xf32, #tpu.memory_space<hbm>>) dst(%dma_wait3A_1450 : memref<128x64xf32, #tpu.memory_space<vmem>>)
      %dma_wait3A_1457 = arith.constant 6 : i32
      %dma_wait3A_1458 = arith.constant 768 : i32
      %dma_wait3A_1459 = arith.constant 0 : i32
      %dma_wait3A_1460 = tpu.memref_slice %arg11[%dma_wait3A_1458, %dma_wait3A_1459] : memref<1024x64xf32, #tpu.memory_space<vmem>> -> memref<128x64xf32, #tpu.memory_space<vmem>>
      %dma_wait3A_1461 = arith.constant 0 : i32
      %dma_wait3A_1462 = tpu.memref_slice %arg8[%dma_wait3A_1457, %dma_wait3A_1461] : memref<8x128xi32, #tpu.memory_space<vmem>> -> memref<1x128xi32, #tpu.memory_space<vmem>>
      %dma_wait3A_1463 = tpu.memref_squeeze %dma_wait3A_1462 : memref<1x128xi32, #tpu.memory_space<vmem>> -> memref<128xi32, #tpu.memory_space<vmem>>
      %dma_wait3A_1464 = arith.constant 0 : i32
      %dma_wait3A_1465 = arith.constant 0 : i32
      %dma_wait3A_1466 = tpu.memref_slice %arg5[%dma_wait3A_1464, %dma_wait3A_1465] : memref<1000000x64xf32, #tpu.memory_space<hbm>> -> memref<1000000x64xf32, #tpu.memory_space<hbm>>
      tpu.wait_indirect_dma semaphore(%arg12 : memref<!tpu.dma_semaphore, #tpu.memory_space<semaphore_mem>>) src(%dma_wait3A_1466 : memref<1000000x64xf32, #tpu.memory_space<hbm>>) dst(%dma_wait3A_1460 : memref<128x64xf32, #tpu.memory_space<vmem>>)
      %dma_wait3A_1467 = arith.constant 7 : i32
      %dma_wait3A_1468 = arith.constant 896 : i32
      %dma_wait3A_1469 = arith.constant 0 : i32
      %dma_wait3A_1470 = tpu.memref_slice %arg11[%dma_wait3A_1468, %dma_wait3A_1469] : memref<1024x64xf32, #tpu.memory_space<vmem>> -> memref<128x64xf32, #tpu.memory_space<vmem>>
      %dma_wait3A_1471 = arith.constant 0 : i32
      %dma_wait3A_1472 = tpu.memref_slice %arg8[%dma_wait3A_1467, %dma_wait3A_1471] : memref<8x128xi32, #tpu.memory_space<vmem>> -> memref<1x128xi32, #tpu.memory_space<vmem>>
      %dma_wait3A_1473 = tpu.memref_squeeze %dma_wait3A_1472 : memref<1x128xi32, #tpu.memory_space<vmem>> -> memref<128xi32, #tpu.memory_space<vmem>>
      %dma_wait3A_1474 = arith.constant 0 : i32
      %dma_wait3A_1475 = arith.constant 0 : i32
      %dma_wait3A_1476 = tpu.memref_slice %arg5[%dma_wait3A_1474, %dma_wait3A_1475] : memref<1000000x64xf32, #tpu.memory_space<hbm>> -> memref<1000000x64xf32, #tpu.memory_space<hbm>>
      tpu.wait_indirect_dma semaphore(%arg12 : memref<!tpu.dma_semaphore, #tpu.memory_space<semaphore_mem>>) src(%dma_wait3A_1476 : memref<1000000x64xf32, #tpu.memory_space<hbm>>) dst(%dma_wait3A_1470 : memref<128x64xf32, #tpu.memory_space<vmem>>)
      %dma_start3A_1477 = arith.constant 0 : i32
      %dma_start3A_1478 = arith.constant 0 : i32
      %dma_start3A_1479 = arith.constant 0 : i32
      %dma_start3A_1480 = tpu.memref_slice %arg11[%dma_start3A_1478, %dma_start3A_1479] : memref<1024x64xf32, #tpu.memory_space<vmem>> -> memref<128x64xf32, #tpu.memory_space<vmem>>
      %dma_start3A_1481 = arith.constant 0 : i32
      %dma_start3A_1482 = tpu.memref_slice %arg9[%dma_start3A_1477, %dma_start3A_1481] : memref<8x128xi32, #tpu.memory_space<vmem>> -> memref<1x128xi32, #tpu.memory_space<vmem>>
      %dma_start3A_1483 = tpu.memref_squeeze %dma_start3A_1482 : memref<1x128xi32, #tpu.memory_space<vmem>> -> memref<128xi32, #tpu.memory_space<vmem>>
      %dma_start3A_1484 = arith.constant 0 : i32
      %dma_start3A_1485 = arith.constant 0 : i32
      %dma_start3A_1486 = tpu.memref_slice %arg6[%dma_start3A_1484, %dma_start3A_1485] : memref<200x64xf32, #tpu.memory_space<hbm>> -> memref<200x64xf32, #tpu.memory_space<hbm>>
      tpu.enqueue_indirect_dma source(%dma_start3A_1486 : memref<200x64xf32, #tpu.memory_space<hbm>>) target(%dma_start3A_1480 : memref<128x64xf32, #tpu.memory_space<vmem>>) offsets(%dma_start3A_1483 : memref<128xi32, #tpu.memory_space<vmem>>) semaphore(%arg12 : memref<!tpu.dma_semaphore, #tpu.memory_space<semaphore_mem>>) {add = true}
      %dma_start3A_1487 = arith.constant 1 : i32
      %dma_start3A_1488 = arith.constant 128 : i32
      %dma_start3A_1489 = arith.constant 0 : i32
      %dma_start3A_1490 = tpu.memref_slice %arg11[%dma_start3A_1488, %dma_start3A_1489] : memref<1024x64xf32, #tpu.memory_space<vmem>> -> memref<128x64xf32, #tpu.memory_space<vmem>>
      %dma_start3A_1491 = arith.constant 0 : i32
      %dma_start3A_1492 = tpu.memref_slice %arg9[%dma_start3A_1487, %dma_start3A_1491] : memref<8x128xi32, #tpu.memory_space<vmem>> -> memref<1x128xi32, #tpu.memory_space<vmem>>
      %dma_start3A_1493 = tpu.memref_squeeze %dma_start3A_1492 : memref<1x128xi32, #tpu.memory_space<vmem>> -> memref<128xi32, #tpu.memory_space<vmem>>
      %dma_start3A_1494 = arith.constant 0 : i32
      %dma_start3A_1495 = arith.constant 0 : i32
      %dma_start3A_1496 = tpu.memref_slice %arg6[%dma_start3A_1494, %dma_start3A_1495] : memref<200x64xf32, #tpu.memory_space<hbm>> -> memref<200x64xf32, #tpu.memory_space<hbm>>
      tpu.enqueue_indirect_dma source(%dma_start3A_1496 : memref<200x64xf32, #tpu.memory_space<hbm>>) target(%dma_start3A_1490 : memref<128x64xf32, #tpu.memory_space<vmem>>) offsets(%dma_start3A_1493 : memref<128xi32, #tpu.memory_space<vmem>>) semaphore(%arg12 : memref<!tpu.dma_semaphore, #tpu.memory_space<semaphore_mem>>) {add = true}
      %dma_start3A_1497 = arith.constant 2 : i32
      %dma_start3A_1498 = arith.constant 256 : i32
      %dma_start3A_1499 = arith.constant 0 : i32
      %dma_start3A_1500 = tpu.memref_slice %arg11[%dma_start3A_1498, %dma_start3A_1499] : memref<1024x64xf32, #tpu.memory_space<vmem>> -> memref<128x64xf32, #tpu.memory_space<vmem>>
      %dma_start3A_1501 = arith.constant 0 : i32
      %dma_start3A_1502 = tpu.memref_slice %arg9[%dma_start3A_1497, %dma_start3A_1501] : memref<8x128xi32, #tpu.memory_space<vmem>> -> memref<1x128xi32, #tpu.memory_space<vmem>>
      %dma_start3A_1503 = tpu.memref_squeeze %dma_start3A_1502 : memref<1x128xi32, #tpu.memory_space<vmem>> -> memref<128xi32, #tpu.memory_space<vmem>>
      %dma_start3A_1504 = arith.constant 0 : i32
      %dma_start3A_1505 = arith.constant 0 : i32
      %dma_start3A_1506 = tpu.memref_slice %arg6[%dma_start3A_1504, %dma_start3A_1505] : memref<200x64xf32, #tpu.memory_space<hbm>> -> memref<200x64xf32, #tpu.memory_space<hbm>>
      tpu.enqueue_indirect_dma source(%dma_start3A_1506 : memref<200x64xf32, #tpu.memory_space<hbm>>) target(%dma_start3A_1500 : memref<128x64xf32, #tpu.memory_space<vmem>>) offsets(%dma_start3A_1503 : memref<128xi32, #tpu.memory_space<vmem>>) semaphore(%arg12 : memref<!tpu.dma_semaphore, #tpu.memory_space<semaphore_mem>>) {add = true}
      %dma_start3A_1507 = arith.constant 3 : i32
      %dma_start3A_1508 = arith.constant 384 : i32
      %dma_start3A_1509 = arith.constant 0 : i32
      %dma_start3A_1510 = tpu.memref_slice %arg11[%dma_start3A_1508, %dma_start3A_1509] : memref<1024x64xf32, #tpu.memory_space<vmem>> -> memref<128x64xf32, #tpu.memory_space<vmem>>
      %dma_start3A_1511 = arith.constant 0 : i32
      %dma_start3A_1512 = tpu.memref_slice %arg9[%dma_start3A_1507, %dma_start3A_1511] : memref<8x128xi32, #tpu.memory_space<vmem>> -> memref<1x128xi32, #tpu.memory_space<vmem>>
      %dma_start3A_1513 = tpu.memref_squeeze %dma_start3A_1512 : memref<1x128xi32, #tpu.memory_space<vmem>> -> memref<128xi32, #tpu.memory_space<vmem>>
      %dma_start3A_1514 = arith.constant 0 : i32
      %dma_start3A_1515 = arith.constant 0 : i32
      %dma_start3A_1516 = tpu.memref_slice %arg6[%dma_start3A_1514, %dma_start3A_1515] : memref<200x64xf32, #tpu.memory_space<hbm>> -> memref<200x64xf32, #tpu.memory_space<hbm>>
      tpu.enqueue_indirect_dma source(%dma_start3A_1516 : memref<200x64xf32, #tpu.memory_space<hbm>>) target(%dma_start3A_1510 : memref<128x64xf32, #tpu.memory_space<vmem>>) offsets(%dma_start3A_1513 : memref<128xi32, #tpu.memory_space<vmem>>) semaphore(%arg12 : memref<!tpu.dma_semaphore, #tpu.memory_space<semaphore_mem>>) {add = true}
      %dma_start3A_1517 = arith.constant 4 : i32
      %dma_start3A_1518 = arith.constant 512 : i32
      %dma_start3A_1519 = arith.constant 0 : i32
      %dma_start3A_1520 = tpu.memref_slice %arg11[%dma_start3A_1518, %dma_start3A_1519] : memref<1024x64xf32, #tpu.memory_space<vmem>> -> memref<128x64xf32, #tpu.memory_space<vmem>>
      %dma_start3A_1521 = arith.constant 0 : i32
      %dma_start3A_1522 = tpu.memref_slice %arg9[%dma_start3A_1517, %dma_start3A_1521] : memref<8x128xi32, #tpu.memory_space<vmem>> -> memref<1x128xi32, #tpu.memory_space<vmem>>
      %dma_start3A_1523 = tpu.memref_squeeze %dma_start3A_1522 : memref<1x128xi32, #tpu.memory_space<vmem>> -> memref<128xi32, #tpu.memory_space<vmem>>
      %dma_start3A_1524 = arith.constant 0 : i32
      %dma_start3A_1525 = arith.constant 0 : i32
      %dma_start3A_1526 = tpu.memref_slice %arg6[%dma_start3A_1524, %dma_start3A_1525] : memref<200x64xf32, #tpu.memory_space<hbm>> -> memref<200x64xf32, #tpu.memory_space<hbm>>
      tpu.enqueue_indirect_dma source(%dma_start3A_1526 : memref<200x64xf32, #tpu.memory_space<hbm>>) target(%dma_start3A_1520 : memref<128x64xf32, #tpu.memory_space<vmem>>) offsets(%dma_start3A_1523 : memref<128xi32, #tpu.memory_space<vmem>>) semaphore(%arg12 : memref<!tpu.dma_semaphore, #tpu.memory_space<semaphore_mem>>) {add = true}
      %dma_start3A_1527 = arith.constant 5 : i32
      %dma_start3A_1528 = arith.constant 640 : i32
      %dma_start3A_1529 = arith.constant 0 : i32
      %dma_start3A_1530 = tpu.memref_slice %arg11[%dma_start3A_1528, %dma_start3A_1529] : memref<1024x64xf32, #tpu.memory_space<vmem>> -> memref<128x64xf32, #tpu.memory_space<vmem>>
      %dma_start3A_1531 = arith.constant 0 : i32
      %dma_start3A_1532 = tpu.memref_slice %arg9[%dma_start3A_1527, %dma_start3A_1531] : memref<8x128xi32, #tpu.memory_space<vmem>> -> memref<1x128xi32, #tpu.memory_space<vmem>>
      %dma_start3A_1533 = tpu.memref_squeeze %dma_start3A_1532 : memref<1x128xi32, #tpu.memory_space<vmem>> -> memref<128xi32, #tpu.memory_space<vmem>>
      %dma_start3A_1534 = arith.constant 0 : i32
      %dma_start3A_1535 = arith.constant 0 : i32
      %dma_start3A_1536 = tpu.memref_slice %arg6[%dma_start3A_1534, %dma_start3A_1535] : memref<200x64xf32, #tpu.memory_space<hbm>> -> memref<200x64xf32, #tpu.memory_space<hbm>>
      tpu.enqueue_indirect_dma source(%dma_start3A_1536 : memref<200x64xf32, #tpu.memory_space<hbm>>) target(%dma_start3A_1530 : memref<128x64xf32, #tpu.memory_space<vmem>>) offsets(%dma_start3A_1533 : memref<128xi32, #tpu.memory_space<vmem>>) semaphore(%arg12 : memref<!tpu.dma_semaphore, #tpu.memory_space<semaphore_mem>>) {add = true}
      %dma_start3A_1537 = arith.constant 6 : i32
      %dma_start3A_1538 = arith.constant 768 : i32
      %dma_start3A_1539 = arith.constant 0 : i32
      %dma_start3A_1540 = tpu.memref_slice %arg11[%dma_start3A_1538, %dma_start3A_1539] : memref<1024x64xf32, #tpu.memory_space<vmem>> -> memref<128x64xf32, #tpu.memory_space<vmem>>
      %dma_start3A_1541 = arith.constant 0 : i32
      %dma_start3A_1542 = tpu.memref_slice %arg9[%dma_start3A_1537, %dma_start3A_1541] : memref<8x128xi32, #tpu.memory_space<vmem>> -> memref<1x128xi32, #tpu.memory_space<vmem>>
      %dma_start3A_1543 = tpu.memref_squeeze %dma_start3A_1542 : memref<1x128xi32, #tpu.memory_space<vmem>> -> memref<128xi32, #tpu.memory_space<vmem>>
      %dma_start3A_1544 = arith.constant 0 : i32
      %dma_start3A_1545 = arith.constant 0 : i32
      %dma_start3A_1546 = tpu.memref_slice %arg6[%dma_start3A_1544, %dma_start3A_1545] : memref<200x64xf32, #tpu.memory_space<hbm>> -> memref<200x64xf32, #tpu.memory_space<hbm>>
      tpu.enqueue_indirect_dma source(%dma_start3A_1546 : memref<200x64xf32, #tpu.memory_space<hbm>>) target(%dma_start3A_1540 : memref<128x64xf32, #tpu.memory_space<vmem>>) offsets(%dma_start3A_1543 : memref<128xi32, #tpu.memory_space<vmem>>) semaphore(%arg12 : memref<!tpu.dma_semaphore, #tpu.memory_space<semaphore_mem>>) {add = true}
      %dma_start3A_1547 = arith.constant 7 : i32
      %dma_start3A_1548 = arith.constant 896 : i32
      %dma_start3A_1549 = arith.constant 0 : i32
      %dma_start3A_1550 = tpu.memref_slice %arg11[%dma_start3A_1548, %dma_start3A_1549] : memref<1024x64xf32, #tpu.memory_space<vmem>> -> memref<128x64xf32, #tpu.memory_space<vmem>>
      %dma_start3A_1551 = arith.constant 0 : i32
      %dma_start3A_1552 = tpu.memref_slice %arg9[%dma_start3A_1547, %dma_start3A_1551] : memref<8x128xi32, #tpu.memory_space<vmem>> -> memref<1x128xi32, #tpu.memory_space<vmem>>
      %dma_start3A_1553 = tpu.memref_squeeze %dma_start3A_1552 : memref<1x128xi32, #tpu.memory_space<vmem>> -> memref<128xi32, #tpu.memory_space<vmem>>
      %dma_start3A_1554 = arith.constant 0 : i32
      %dma_start3A_1555 = arith.constant 0 : i32
      %dma_start3A_1556 = tpu.memref_slice %arg6[%dma_start3A_1554, %dma_start3A_1555] : memref<200x64xf32, #tpu.memory_space<hbm>> -> memref<200x64xf32, #tpu.memory_space<hbm>>
      tpu.enqueue_indirect_dma source(%dma_start3A_1556 : memref<200x64xf32, #tpu.memory_space<hbm>>) target(%dma_start3A_1550 : memref<128x64xf32, #tpu.memory_space<vmem>>) offsets(%dma_start3A_1553 : memref<128xi32, #tpu.memory_space<vmem>>) semaphore(%arg12 : memref<!tpu.dma_semaphore, #tpu.memory_space<semaphore_mem>>) {add = true}
      %dma_wait3A_1557 = arith.constant 0 : i32
      %dma_wait3A_1558 = arith.constant 0 : i32
      %dma_wait3A_1559 = arith.constant 0 : i32
      %dma_wait3A_1560 = tpu.memref_slice %arg11[%dma_wait3A_1558, %dma_wait3A_1559] : memref<1024x64xf32, #tpu.memory_space<vmem>> -> memref<128x64xf32, #tpu.memory_space<vmem>>
      %dma_wait3A_1561 = arith.constant 0 : i32
      %dma_wait3A_1562 = tpu.memref_slice %arg9[%dma_wait3A_1557, %dma_wait3A_1561] : memref<8x128xi32, #tpu.memory_space<vmem>> -> memref<1x128xi32, #tpu.memory_space<vmem>>
      %dma_wait3A_1563 = tpu.memref_squeeze %dma_wait3A_1562 : memref<1x128xi32, #tpu.memory_space<vmem>> -> memref<128xi32, #tpu.memory_space<vmem>>
      %dma_wait3A_1564 = arith.constant 0 : i32
      %dma_wait3A_1565 = arith.constant 0 : i32
      %dma_wait3A_1566 = tpu.memref_slice %arg6[%dma_wait3A_1564, %dma_wait3A_1565] : memref<200x64xf32, #tpu.memory_space<hbm>> -> memref<200x64xf32, #tpu.memory_space<hbm>>
      tpu.wait_indirect_dma semaphore(%arg12 : memref<!tpu.dma_semaphore, #tpu.memory_space<semaphore_mem>>) src(%dma_wait3A_1566 : memref<200x64xf32, #tpu.memory_space<hbm>>) dst(%dma_wait3A_1560 : memref<128x64xf32, #tpu.memory_space<vmem>>)
      %dma_wait3A_1567 = arith.constant 1 : i32
      %dma_wait3A_1568 = arith.constant 128 : i32
      %dma_wait3A_1569 = arith.constant 0 : i32
      %dma_wait3A_1570 = tpu.memref_slice %arg11[%dma_wait3A_1568, %dma_wait3A_1569] : memref<1024x64xf32, #tpu.memory_space<vmem>> -> memref<128x64xf32, #tpu.memory_space<vmem>>
      %dma_wait3A_1571 = arith.constant 0 : i32
      %dma_wait3A_1572 = tpu.memref_slice %arg9[%dma_wait3A_1567, %dma_wait3A_1571] : memref<8x128xi32, #tpu.memory_space<vmem>> -> memref<1x128xi32, #tpu.memory_space<vmem>>
      %dma_wait3A_1573 = tpu.memref_squeeze %dma_wait3A_1572 : memref<1x128xi32, #tpu.memory_space<vmem>> -> memref<128xi32, #tpu.memory_space<vmem>>
      %dma_wait3A_1574 = arith.constant 0 : i32
      %dma_wait3A_1575 = arith.constant 0 : i32
      %dma_wait3A_1576 = tpu.memref_slice %arg6[%dma_wait3A_1574, %dma_wait3A_1575] : memref<200x64xf32, #tpu.memory_space<hbm>> -> memref<200x64xf32, #tpu.memory_space<hbm>>
      tpu.wait_indirect_dma semaphore(%arg12 : memref<!tpu.dma_semaphore, #tpu.memory_space<semaphore_mem>>) src(%dma_wait3A_1576 : memref<200x64xf32, #tpu.memory_space<hbm>>) dst(%dma_wait3A_1570 : memref<128x64xf32, #tpu.memory_space<vmem>>)
      %dma_wait3A_1577 = arith.constant 2 : i32
      %dma_wait3A_1578 = arith.constant 256 : i32
      %dma_wait3A_1579 = arith.constant 0 : i32
      %dma_wait3A_1580 = tpu.memref_slice %arg11[%dma_wait3A_1578, %dma_wait3A_1579] : memref<1024x64xf32, #tpu.memory_space<vmem>> -> memref<128x64xf32, #tpu.memory_space<vmem>>
      %dma_wait3A_1581 = arith.constant 0 : i32
      %dma_wait3A_1582 = tpu.memref_slice %arg9[%dma_wait3A_1577, %dma_wait3A_1581] : memref<8x128xi32, #tpu.memory_space<vmem>> -> memref<1x128xi32, #tpu.memory_space<vmem>>
      %dma_wait3A_1583 = tpu.memref_squeeze %dma_wait3A_1582 : memref<1x128xi32, #tpu.memory_space<vmem>> -> memref<128xi32, #tpu.memory_space<vmem>>
      %dma_wait3A_1584 = arith.constant 0 : i32
      %dma_wait3A_1585 = arith.constant 0 : i32
      %dma_wait3A_1586 = tpu.memref_slice %arg6[%dma_wait3A_1584, %dma_wait3A_1585] : memref<200x64xf32, #tpu.memory_space<hbm>> -> memref<200x64xf32, #tpu.memory_space<hbm>>
      tpu.wait_indirect_dma semaphore(%arg12 : memref<!tpu.dma_semaphore, #tpu.memory_space<semaphore_mem>>) src(%dma_wait3A_1586 : memref<200x64xf32, #tpu.memory_space<hbm>>) dst(%dma_wait3A_1580 : memref<128x64xf32, #tpu.memory_space<vmem>>)
      %dma_wait3A_1587 = arith.constant 3 : i32
      %dma_wait3A_1588 = arith.constant 384 : i32
      %dma_wait3A_1589 = arith.constant 0 : i32
      %dma_wait3A_1590 = tpu.memref_slice %arg11[%dma_wait3A_1588, %dma_wait3A_1589] : memref<1024x64xf32, #tpu.memory_space<vmem>> -> memref<128x64xf32, #tpu.memory_space<vmem>>
      %dma_wait3A_1591 = arith.constant 0 : i32
      %dma_wait3A_1592 = tpu.memref_slice %arg9[%dma_wait3A_1587, %dma_wait3A_1591] : memref<8x128xi32, #tpu.memory_space<vmem>> -> memref<1x128xi32, #tpu.memory_space<vmem>>
      %dma_wait3A_1593 = tpu.memref_squeeze %dma_wait3A_1592 : memref<1x128xi32, #tpu.memory_space<vmem>> -> memref<128xi32, #tpu.memory_space<vmem>>
      %dma_wait3A_1594 = arith.constant 0 : i32
      %dma_wait3A_1595 = arith.constant 0 : i32
      %dma_wait3A_1596 = tpu.memref_slice %arg6[%dma_wait3A_1594, %dma_wait3A_1595] : memref<200x64xf32, #tpu.memory_space<hbm>> -> memref<200x64xf32, #tpu.memory_space<hbm>>
      tpu.wait_indirect_dma semaphore(%arg12 : memref<!tpu.dma_semaphore, #tpu.memory_space<semaphore_mem>>) src(%dma_wait3A_1596 : memref<200x64xf32, #tpu.memory_space<hbm>>) dst(%dma_wait3A_1590 : memref<128x64xf32, #tpu.memory_space<vmem>>)
      %dma_wait3A_1597 = arith.constant 4 : i32
      %dma_wait3A_1598 = arith.constant 512 : i32
      %dma_wait3A_1599 = arith.constant 0 : i32
      %dma_wait3A_1600 = tpu.memref_slice %arg11[%dma_wait3A_1598, %dma_wait3A_1599] : memref<1024x64xf32, #tpu.memory_space<vmem>> -> memref<128x64xf32, #tpu.memory_space<vmem>>
      %dma_wait3A_1601 = arith.constant 0 : i32
      %dma_wait3A_1602 = tpu.memref_slice %arg9[%dma_wait3A_1597, %dma_wait3A_1601] : memref<8x128xi32, #tpu.memory_space<vmem>> -> memref<1x128xi32, #tpu.memory_space<vmem>>
      %dma_wait3A_1603 = tpu.memref_squeeze %dma_wait3A_1602 : memref<1x128xi32, #tpu.memory_space<vmem>> -> memref<128xi32, #tpu.memory_space<vmem>>
      %dma_wait3A_1604 = arith.constant 0 : i32
      %dma_wait3A_1605 = arith.constant 0 : i32
      %dma_wait3A_1606 = tpu.memref_slice %arg6[%dma_wait3A_1604, %dma_wait3A_1605] : memref<200x64xf32, #tpu.memory_space<hbm>> -> memref<200x64xf32, #tpu.memory_space<hbm>>
      tpu.wait_indirect_dma semaphore(%arg12 : memref<!tpu.dma_semaphore, #tpu.memory_space<semaphore_mem>>) src(%dma_wait3A_1606 : memref<200x64xf32, #tpu.memory_space<hbm>>) dst(%dma_wait3A_1600 : memref<128x64xf32, #tpu.memory_space<vmem>>)
      %dma_wait3A_1607 = arith.constant 5 : i32
      %dma_wait3A_1608 = arith.constant 640 : i32
      %dma_wait3A_1609 = arith.constant 0 : i32
      %dma_wait3A_1610 = tpu.memref_slice %arg11[%dma_wait3A_1608, %dma_wait3A_1609] : memref<1024x64xf32, #tpu.memory_space<vmem>> -> memref<128x64xf32, #tpu.memory_space<vmem>>
      %dma_wait3A_1611 = arith.constant 0 : i32
      %dma_wait3A_1612 = tpu.memref_slice %arg9[%dma_wait3A_1607, %dma_wait3A_1611] : memref<8x128xi32, #tpu.memory_space<vmem>> -> memref<1x128xi32, #tpu.memory_space<vmem>>
      %dma_wait3A_1613 = tpu.memref_squeeze %dma_wait3A_1612 : memref<1x128xi32, #tpu.memory_space<vmem>> -> memref<128xi32, #tpu.memory_space<vmem>>
      %dma_wait3A_1614 = arith.constant 0 : i32
      %dma_wait3A_1615 = arith.constant 0 : i32
      %dma_wait3A_1616 = tpu.memref_slice %arg6[%dma_wait3A_1614, %dma_wait3A_1615] : memref<200x64xf32, #tpu.memory_space<hbm>> -> memref<200x64xf32, #tpu.memory_space<hbm>>
      tpu.wait_indirect_dma semaphore(%arg12 : memref<!tpu.dma_semaphore, #tpu.memory_space<semaphore_mem>>) src(%dma_wait3A_1616 : memref<200x64xf32, #tpu.memory_space<hbm>>) dst(%dma_wait3A_1610 : memref<128x64xf32, #tpu.memory_space<vmem>>)
      %dma_wait3A_1617 = arith.constant 6 : i32
      %dma_wait3A_1618 = arith.constant 768 : i32
      %dma_wait3A_1619 = arith.constant 0 : i32
      %dma_wait3A_1620 = tpu.memref_slice %arg11[%dma_wait3A_1618, %dma_wait3A_1619] : memref<1024x64xf32, #tpu.memory_space<vmem>> -> memref<128x64xf32, #tpu.memory_space<vmem>>
      %dma_wait3A_1621 = arith.constant 0 : i32
      %dma_wait3A_1622 = tpu.memref_slice %arg9[%dma_wait3A_1617, %dma_wait3A_1621] : memref<8x128xi32, #tpu.memory_space<vmem>> -> memref<1x128xi32, #tpu.memory_space<vmem>>
      %dma_wait3A_1623 = tpu.memref_squeeze %dma_wait3A_1622 : memref<1x128xi32, #tpu.memory_space<vmem>> -> memref<128xi32, #tpu.memory_space<vmem>>
      %dma_wait3A_1624 = arith.constant 0 : i32
      %dma_wait3A_1625 = arith.constant 0 : i32
      %dma_wait3A_1626 = tpu.memref_slice %arg6[%dma_wait3A_1624, %dma_wait3A_1625] : memref<200x64xf32, #tpu.memory_space<hbm>> -> memref<200x64xf32, #tpu.memory_space<hbm>>
      tpu.wait_indirect_dma semaphore(%arg12 : memref<!tpu.dma_semaphore, #tpu.memory_space<semaphore_mem>>) src(%dma_wait3A_1626 : memref<200x64xf32, #tpu.memory_space<hbm>>) dst(%dma_wait3A_1620 : memref<128x64xf32, #tpu.memory_space<vmem>>)
      %dma_wait3A_1627 = arith.constant 7 : i32
      %dma_wait3A_1628 = arith.constant 896 : i32
      %dma_wait3A_1629 = arith.constant 0 : i32
      %dma_wait3A_1630 = tpu.memref_slice %arg11[%dma_wait3A_1628, %dma_wait3A_1629] : memref<1024x64xf32, #tpu.memory_space<vmem>> -> memref<128x64xf32, #tpu.memory_space<vmem>>
      %dma_wait3A_1631 = arith.constant 0 : i32
      %dma_wait3A_1632 = tpu.memref_slice %arg9[%dma_wait3A_1627, %dma_wait3A_1631] : memref<8x128xi32, #tpu.memory_space<vmem>> -> memref<1x128xi32, #tpu.memory_space<vmem>>
      %dma_wait3A_1633 = tpu.memref_squeeze %dma_wait3A_1632 : memref<1x128xi32, #tpu.memory_space<vmem>> -> memref<128xi32, #tpu.memory_space<vmem>>
      %dma_wait3A_1634 = arith.constant 0 : i32
      %dma_wait3A_1635 = arith.constant 0 : i32
      %dma_wait3A_1636 = tpu.memref_slice %arg6[%dma_wait3A_1634, %dma_wait3A_1635] : memref<200x64xf32, #tpu.memory_space<hbm>> -> memref<200x64xf32, #tpu.memory_space<hbm>>
      tpu.wait_indirect_dma semaphore(%arg12 : memref<!tpu.dma_semaphore, #tpu.memory_space<semaphore_mem>>) src(%dma_wait3A_1636 : memref<200x64xf32, #tpu.memory_space<hbm>>) dst(%dma_wait3A_1630 : memref<128x64xf32, #tpu.memory_space<vmem>>)
      "tpu.region"() ({
        %run_scoped3A = tpu.sem_alloc : memref<!tpu.dma_semaphore, #tpu.memory_space<semaphore_mem>>
        %dma_start3A_1637 = arith.constant 0 : i32
        %dma_start3A_1638 = tpu.memref_slice %arg7[%mul3A_16, %dma_start3A_1637] : memref<819200x64xf32, #tpu.memory_space<hbm>> -> memref<1024x64xf32, #tpu.memory_space<hbm>>
        %dma_start3A_1639 = arith.constant 0 : i32
        %dma_start3A_1640 = tpu.memref_slice %arg7[%mul3A_16, %dma_start3A_1639] : memref<819200x64xf32, #tpu.memory_space<hbm>> -> memref<1024x64xf32, #tpu.memory_space<hbm>>
        tpu.enqueue_dma source(%arg11 : memref<1024x64xf32, #tpu.memory_space<vmem>>) target(%dma_start3A_1640 : memref<1024x64xf32, #tpu.memory_space<hbm>>) target_semaphore(%run_scoped3A : memref<!tpu.dma_semaphore, #tpu.memory_space<semaphore_mem>>)
        %dma_wait3A_1641 = arith.constant 0 : i32
        %dma_wait3A_1642 = tpu.memref_slice %arg7[%mul3A_16, %dma_wait3A_1641] : memref<819200x64xf32, #tpu.memory_space<hbm>> -> memref<1024x64xf32, #tpu.memory_space<hbm>>
        %dma_wait3A_1643 = arith.constant 0 : i32
        %dma_wait3A_1644 = tpu.memref_slice %arg7[%mul3A_16, %dma_wait3A_1643] : memref<819200x64xf32, #tpu.memory_space<hbm>> -> memref<1024x64xf32, #tpu.memory_space<hbm>>
        tpu.wait_dma2 semaphore(%run_scoped3A : memref<!tpu.dma_semaphore, #tpu.memory_space<semaphore_mem>>) src(%arg11 : memref<1024x64xf32, #tpu.memory_space<vmem>>) dst(%dma_wait3A_1644 : memref<1024x64xf32, #tpu.memory_space<hbm>>)
        tpu.yield
      }) : () -> ()
    }
    %scan3A_7 = arith.constant 25 : i32
    return
  }
}

module attributes {stable_mosaic.version = 14 : i64} {
  func.func @_fuse_body(%arg0: memref<8x64xf32, #tpu.memory_space<vmem>>, %arg1: memref<25x64xf32, #tpu.memory_space<vmem>>, %arg2: memref<200x64xf32, #tpu.memory_space<vmem>>) attributes {dimension_semantics = [], scalar_prefetch = 0 : i64, scratch_operands = 0 : i64, tpu.core_type = #tpu.core_type<tc>} {
    %get3A = arith.constant 0 : index
    %get3A_0 = arith.constant 0 : index
    %get3A_1 = vector.load %arg0[%get3A, %get3A_0] : memref<8x64xf32, #tpu.memory_space<vmem>>, vector<1x64xf32>
    %get3A_2 = arith.constant 0 : index
    %get3A_3 = arith.constant 0 : index
    %get3A_4 = vector.load %arg1[%get3A_2, %get3A_3] : memref<25x64xf32, #tpu.memory_space<vmem>>, vector<25x64xf32>
    %add3A = vector.broadcast %get3A_1 : vector<1x64xf32> to vector<25x64xf32>
    %add3A_5 = arith.addf %add3A, %get3A_4 : vector<25x64xf32>
    %swap3A = arith.constant 0 : index
    %swap3A_6 = arith.constant 0 : index
    %swap3A_7 = vector.load %arg2[%swap3A, %swap3A_6] : memref<200x64xf32, #tpu.memory_space<vmem>>, vector<25x64xf32>
    tpu.vector_store %arg2[%swap3A, %swap3A_6], %add3A_5 {strides = array<i32>} : memref<200x64xf32, #tpu.memory_space<vmem>>, vector<25x64xf32>,
    %get3A_8 = arith.constant 1 : index
    %get3A_9 = arith.constant 0 : index
    %get3A_10 = vector.load %arg0[%get3A_8, %get3A_9] : memref<8x64xf32, #tpu.memory_space<vmem>>, vector<1x64xf32>
    %get3A_11 = arith.constant 0 : index
    %get3A_12 = arith.constant 0 : index
    %get3A_13 = vector.load %arg1[%get3A_11, %get3A_12] : memref<25x64xf32, #tpu.memory_space<vmem>>, vector<25x64xf32>
    %add3A_14 = vector.broadcast %get3A_10 : vector<1x64xf32> to vector<25x64xf32>
    %add3A_15 = arith.addf %add3A_14, %get3A_13 : vector<25x64xf32>
    %swap3A_16 = arith.constant 25 : index
    %swap3A_17 = arith.constant 0 : index
    %swap3A_18 = vector.load %arg2[%swap3A_16, %swap3A_17] : memref<200x64xf32, #tpu.memory_space<vmem>>, vector<25x64xf32>
    tpu.vector_store %arg2[%swap3A_16, %swap3A_17], %add3A_15 {strides = array<i32>} : memref<200x64xf32, #tpu.memory_space<vmem>>, vector<25x64xf32>,
    %get3A_19 = arith.constant 2 : index
    %get3A_20 = arith.constant 0 : index
    %get3A_21 = vector.load %arg0[%get3A_19, %get3A_20] : memref<8x64xf32, #tpu.memory_space<vmem>>, vector<1x64xf32>
    %get3A_22 = arith.constant 0 : index
    %get3A_23 = arith.constant 0 : index
    %get3A_24 = vector.load %arg1[%get3A_22, %get3A_23] : memref<25x64xf32, #tpu.memory_space<vmem>>, vector<25x64xf32>
    %add3A_25 = vector.broadcast %get3A_21 : vector<1x64xf32> to vector<25x64xf32>
    %add3A_26 = arith.addf %add3A_25, %get3A_24 : vector<25x64xf32>
    %swap3A_27 = arith.constant 50 : index
    %swap3A_28 = arith.constant 0 : index
    %swap3A_29 = vector.load %arg2[%swap3A_27, %swap3A_28] : memref<200x64xf32, #tpu.memory_space<vmem>>, vector<25x64xf32>
    tpu.vector_store %arg2[%swap3A_27, %swap3A_28], %add3A_26 {strides = array<i32>} : memref<200x64xf32, #tpu.memory_space<vmem>>, vector<25x64xf32>,
    %get3A_30 = arith.constant 3 : index
    %get3A_31 = arith.constant 0 : index
    %get3A_32 = vector.load %arg0[%get3A_30, %get3A_31] : memref<8x64xf32, #tpu.memory_space<vmem>>, vector<1x64xf32>
    %get3A_33 = arith.constant 0 : index
    %get3A_34 = arith.constant 0 : index
    %get3A_35 = vector.load %arg1[%get3A_33, %get3A_34] : memref<25x64xf32, #tpu.memory_space<vmem>>, vector<25x64xf32>
    %add3A_36 = vector.broadcast %get3A_32 : vector<1x64xf32> to vector<25x64xf32>
    %add3A_37 = arith.addf %add3A_36, %get3A_35 : vector<25x64xf32>
    %swap3A_38 = arith.constant 75 : index
    %swap3A_39 = arith.constant 0 : index
    %swap3A_40 = vector.load %arg2[%swap3A_38, %swap3A_39] : memref<200x64xf32, #tpu.memory_space<vmem>>, vector<25x64xf32>
    tpu.vector_store %arg2[%swap3A_38, %swap3A_39], %add3A_37 {strides = array<i32>} : memref<200x64xf32, #tpu.memory_space<vmem>>, vector<25x64xf32>,
    %get3A_41 = arith.constant 4 : index
    %get3A_42 = arith.constant 0 : index
    %get3A_43 = vector.load %arg0[%get3A_41, %get3A_42] : memref<8x64xf32, #tpu.memory_space<vmem>>, vector<1x64xf32>
    %get3A_44 = arith.constant 0 : index
    %get3A_45 = arith.constant 0 : index
    %get3A_46 = vector.load %arg1[%get3A_44, %get3A_45] : memref<25x64xf32, #tpu.memory_space<vmem>>, vector<25x64xf32>
    %add3A_47 = vector.broadcast %get3A_43 : vector<1x64xf32> to vector<25x64xf32>
    %add3A_48 = arith.addf %add3A_47, %get3A_46 : vector<25x64xf32>
    %swap3A_49 = arith.constant 100 : index
    %swap3A_50 = arith.constant 0 : index
    %swap3A_51 = vector.load %arg2[%swap3A_49, %swap3A_50] : memref<200x64xf32, #tpu.memory_space<vmem>>, vector<25x64xf32>
    tpu.vector_store %arg2[%swap3A_49, %swap3A_50], %add3A_48 {strides = array<i32>} : memref<200x64xf32, #tpu.memory_space<vmem>>, vector<25x64xf32>,
    %get3A_52 = arith.constant 5 : index
    %get3A_53 = arith.constant 0 : index
    %get3A_54 = vector.load %arg0[%get3A_52, %get3A_53] : memref<8x64xf32, #tpu.memory_space<vmem>>, vector<1x64xf32>
    %get3A_55 = arith.constant 0 : index
    %get3A_56 = arith.constant 0 : index
    %get3A_57 = vector.load %arg1[%get3A_55, %get3A_56] : memref<25x64xf32, #tpu.memory_space<vmem>>, vector<25x64xf32>
    %add3A_58 = vector.broadcast %get3A_54 : vector<1x64xf32> to vector<25x64xf32>
    %add3A_59 = arith.addf %add3A_58, %get3A_57 : vector<25x64xf32>
    %swap3A_60 = arith.constant 125 : index
    %swap3A_61 = arith.constant 0 : index
    %swap3A_62 = vector.load %arg2[%swap3A_60, %swap3A_61] : memref<200x64xf32, #tpu.memory_space<vmem>>, vector<25x64xf32>
    tpu.vector_store %arg2[%swap3A_60, %swap3A_61], %add3A_59 {strides = array<i32>} : memref<200x64xf32, #tpu.memory_space<vmem>>, vector<25x64xf32>,
    %get3A_63 = arith.constant 6 : index
    %get3A_64 = arith.constant 0 : index
    %get3A_65 = vector.load %arg0[%get3A_63, %get3A_64] : memref<8x64xf32, #tpu.memory_space<vmem>>, vector<1x64xf32>
    %get3A_66 = arith.constant 0 : index
    %get3A_67 = arith.constant 0 : index
    %get3A_68 = vector.load %arg1[%get3A_66, %get3A_67] : memref<25x64xf32, #tpu.memory_space<vmem>>, vector<25x64xf32>
    %add3A_69 = vector.broadcast %get3A_65 : vector<1x64xf32> to vector<25x64xf32>
    %add3A_70 = arith.addf %add3A_69, %get3A_68 : vector<25x64xf32>
    %swap3A_71 = arith.constant 150 : index
    %swap3A_72 = arith.constant 0 : index
    %swap3A_73 = vector.load %arg2[%swap3A_71, %swap3A_72] : memref<200x64xf32, #tpu.memory_space<vmem>>, vector<25x64xf32>
    tpu.vector_store %arg2[%swap3A_71, %swap3A_72], %add3A_70 {strides = array<i32>} : memref<200x64xf32, #tpu.memory_space<vmem>>, vector<25x64xf32>,
    %get3A_74 = arith.constant 7 : index
    %get3A_75 = arith.constant 0 : index
    %get3A_76 = vector.load %arg0[%get3A_74, %get3A_75] : memref<8x64xf32, #tpu.memory_space<vmem>>, vector<1x64xf32>
    %get3A_77 = arith.constant 0 : index
    %get3A_78 = arith.constant 0 : index
    %get3A_79 = vector.load %arg1[%get3A_77, %get3A_78] : memref<25x64xf32, #tpu.memory_space<vmem>>, vector<25x64xf32>
    %add3A_80 = vector.broadcast %get3A_76 : vector<1x64xf32> to vector<25x64xf32>
    %add3A_81 = arith.addf %add3A_80, %get3A_79 : vector<25x64xf32>
    %swap3A_82 = arith.constant 175 : index
    %swap3A_83 = arith.constant 0 : index
    %swap3A_84 = vector.load %arg2[%swap3A_82, %swap3A_83] : memref<200x64xf32, #tpu.memory_space<vmem>>, vector<25x64xf32>
    tpu.vector_store %arg2[%swap3A_82, %swap3A_83], %add3A_81 {strides = array<i32>} : memref<200x64xf32, #tpu.memory_space<vmem>>, vector<25x64xf32>,
    return
  }
}

</mosaic_0001>

<sc_bundles>
// kernel: kernel.4.cloned.1.call-start
scs
__scs_entry_jumppad:
0x0: {  	(pc) =	sbr.rel $0x88, $3  }
0x1: {  	(tag) =	ssettag $0x0;
	lr =	simm.s32 $0x1  }
0x2: {  	[smem:$0x3F9B] =	sst lr;
	_ =	strace $0xD0000000  }
0x3: {  	_ = 	snop  }
0x4: {  	_ = 	snop  }
0x5: {  	_ = 	snop  }
0x6: {  	_ = 	snop  }
0x7: {  	_ = 	snop  }
__scs_overlays_trampoline_lowered:
0x8: {  	[smem:$0x3FAA] =	sst s0  }
0x9: {  	[smem:$0x3FAB] =	sst s1  }
0xa: {  	[smem:$0x3FAC] =	sst s2  }
0xb: {  	[smem:$0x3FAD] =	sst s3  }
0xc: {  	[smem:$0x3FAE] =	sst s4  }
0xd: {  	[smem:$0x3FAF] =	sst s5  }
0xe: {  	[smem:$0x3FB0] =	sst s6  }
0xf: {  	[smem:$0x3FB1] =	sst s7  }
0x10: {  	[smem:$0x3FB2] =	sst s8  }
0x11: {  	[smem:$0x3FB3] =	sst s9;
	s0 =	simm.s32 @!p0 $0x0  }
0x12: {  	s1 =	sld [smem:$0x3F99];
	s0 =	simm.s32 @p0 $0x1  }
0x13: {  	[smem:$0x3FB4] =	sst s0;
	s0 =	simm.s32 @!p1 $0x0  }
0x14: {  	s2 =	sld [smem:$0x3F98];
	s0 =	simm.s32 @p1 $0x1  }
0x15: {  	[smem:$0x3FB5] =	sst s0;
	s0 =	simm.s32 @!p2 $0x0  }
0x16: {  	s3 =	sld [smem:$0x3FDB];
	s0 =	simm.s32 @p2 $0x1  }
0x17: {  	s4 =	simm.s32 $0x1BF5;
	[smem:$0x3FB7] =	sst s0  }
0x18: {  	s0 =	sld [smem:$0x3F9A];
	_ =	swait.ge [sflag:s4], $0x0  }
0x19: {  	s7 =	sld [smem:$0x3F9B]  }
0x1a: {  	s8 =	sadd.s32 $0xFFFFE003, lr  }
0x1b: {  	s9 =	sadd.s32 $0xFFFFFEF7, lr;
	s5 =	simm.s32 $0xFFFFFFFF;
	p2 =	slt.u32 s8, $0xFFFFF086  }
0x1c: {  	p1 =	slt.u32 s9, $0xF7A;
	s5 =	simm.s32 @!p2 $0x0  }
0x1d: {  	s5 =	simm.s32 @p1 $0x1;
	p0 =	seq.s32 s7, s2  }
0x1e: {  	s7 =	smul.u32 @!p0 $0xF7A, s2;
	p2 =	seq.s32 @!p0 s5, $0x0  }
0x1f: {  	s9 =	smul.u32 $0xF7A, s1;
	s8 =	simm.s32 @!p0 $0x1BF5;
	p2 =	por !p2, p0  }
0x20: {  	[sflag:s8] =	ssyncset.s32 @!p0 $0xFFFFF086;
	s6 =	sadd.s32 @!p0 s3, s7;
	s7 =	simm.s32 @!p0 $0x108  }
0x21: {  	s3 =	sadd.s32 s3, s9;
	s6 =	sadd.s32 @!p0 $0x88, s6;
	s7 =	simm.s32 @p2 $0x1082  }
0x22: {  	[simem:s7], [sflag:s8] =	dma.local @!p0 [hbm:s6], $0xF7A  }
0x23: {  	s9 =	sor.u32 $0xD0000000, s2;
	s6 =	simm.s32 $0x108;
	_ =	swait.ge @!p0 [sflag:s8], $0x0  }
0x24: {  	s3 =	sadd.s32 $0x88, s3;
	s6 =	simm.s32 @!p1 $0x1082;
	[sflag:s4] =	ssyncset.s32 $0xFFFFF086  }
0x25: {  	[simem:s6], [sflag:s4] =	dma.local [hbm:s3], $0xF7A  }
0x26: {  	[smem:$0x3F9B] =	sst s1;
	(tag) =	ssettag s2;
	_ =	strace s9  }
0x27: {  	s1 =	sld [smem:$0x3FAB]  }
0x28: {  	s2 =	sld [smem:$0x3FAC]  }
0x29: {  	s4 =	sld [smem:$0x3FAE]  }
0x2a: {  	p0 =	seq.s32 s5, $0x0;
	s5 =	sld [smem:$0x3FAF]  }
0x2b: {  	s6 =	sld [smem:$0x3FB0]  }
0x2c: {  	s7 =	sld [smem:$0x3FB1]  }
0x2d: {  	s3 =	simm.s32 $0x108;
	s8 =	sld [smem:$0x3FB2]  }
0x2e: {  	s3 =	simm.s32 @!p0 $0x1082;
	s9 =	sld [smem:$0x3FB3]  }
0x2f: {  	lr =	sadd.s32 s0, s3;
	s0 =	sld [smem:$0x3FAA]  }
0x30: {  	s3 =	sld [smem:$0x3FAD]  }
0x31: {  	[smem:$0x3FB6] =	sst s10  }
0x32: {  	s10 =	sld [smem:$0x3FB4];
	_ =	sdelay $0x3  }
0x33: {  	p0 =	seq.s32 s10, $0x1;
	s10 =	sld [smem:$0x3FB6];
	_ =	sdelay $0x3  }
0x34: {  	[smem:$0x3FB6] =	sst s10  }
0x35: {  	s10 =	sld [smem:$0x3FB5];
	_ =	sdelay $0x3  }
0x36: {  	p1 =	seq.s32 s10, $0x1;
	s10 =	sld [smem:$0x3FB6];
	_ =	sdelay $0x3  }
0x37: {  	[smem:$0x3FB6] =	sst s10  }
0x38: {  	s10 =	sld [smem:$0x3FB7]  }
0x39: {  	_ = 	snop;
	(pc) =	sbr.ind lr, $3  }
0x3a: {  	_ = 	snop  }
0x3b: {  	_ = 	snop  }
0x3c: {  	p2 =	seq.s32 s10, $0x1;
	s10 =	sld [smem:$0x3FB6]  }
0x3d: {  	_ =	shalt  }
0x3e: {  	_ =	shalt  }
0x3f: {  	_ =	shalt  }
0x40: {  	_ =	shalt  }
0x41: {  	_ =	shalt  }
0x42: {  	_ =	shalt  }
0x43: {  	_ =	shalt  }
0x44: {  	_ =	shalt  }
0x45: {  	_ =	shalt  }
0x46: {  	_ =	shalt  }
0x47: {  	_ =	shalt  }
0x48: {  	_ =	shalt  }
0x49: {  	_ =	shalt  }
0x4a: {  	_ =	shalt  }
0x4b: {  	_ =	shalt  }
0x4c: {  	_ =	shalt  }
0x4d: {  	_ =	shalt  }
0x4e: {  	_ =	shalt  }
0x4f: {  	_ =	shalt  }
0x50: {  	_ =	shalt  }
0x51: {  	_ =	shalt  }
0x52: {  	_ =	shalt  }
0x53: {  	_ =	shalt  }
0x54: {  	_ =	shalt  }
0x55: {  	_ =	shalt  }
0x56: {  	_ =	shalt  }
0x57: {  	_ =	shalt  }
0x58: {  	_ =	shalt  }
0x59: {  	_ =	shalt  }
0x5a: {  	_ =	shalt  }
0x5b: {  	_ =	shalt  }
0x5c: {  	_ =	shalt  }
0x5d: {  	_ =	shalt  }
0x5e: {  	_ =	shalt  }
0x5f: {  	_ =	shalt  }
0x60: {  	_ =	shalt  }
0x61: {  	_ =	shalt  }
0x62: {  	_ =	shalt  }
0x63: {  	_ =	shalt  }
0x64: {  	_ =	shalt  }
0x65: {  	_ =	shalt  }
0x66: {  	_ =	shalt  }
0x67: {  	_ =	shalt  }
0x68: {  	_ =	shalt  }
0x69: {  	_ =	shalt  }
0x6a: {  	_ =	shalt  }
0x6b: {  	_ =	shalt  }
0x6c: {  	_ =	shalt  }
0x6d: {  	_ =	shalt  }
0x6e: {  	_ =	shalt  }
0x6f: {  	_ =	shalt  }
0x70: {  	_ =	shalt  }
0x71: {  	_ =	shalt  }
0x72: {  	_ =	shalt  }
0x73: {  	_ =	shalt  }
0x74: {  	_ =	shalt  }
0x75: {  	_ =	shalt  }
0x76: {  	_ =	shalt  }
0x77: {  	_ =	shalt  }
0x78: {  	_ =	shalt  }
0x79: {  	_ =	shalt  }
0x7a: {  	_ =	shalt  }
0x7b: {  	_ =	shalt  }
0x7c: {  	_ =	shalt  }
0x7d: {  	_ =	shalt  }
0x7e: {  	_ =	shalt  }
0x7f: {  	_ =	shalt  }
0x80: {  	_ =	shalt  }
0x81: {  	_ =	shalt  }
0x82: {  	_ =	shalt  }
0x83: {  	_ =	shalt  }
0x84: {  	_ =	shalt  }
0x85: {  	_ =	shalt  }
0x86: {  	_ =	shalt  }
0x87: {  	_ =	shalt  }
.Lfunc_end0:
.L_simem_size_0:
called_computation.1_lowered:
.L_overlay_start_0:
0x88: {  	s2 =	sld [smem:$0x3FD9]  }
0x89: {  	s3 =	sld [smem:$0x3FFE];
	_ =	sdelay $0x1  }
0x8a: {  	s1 =	srdreg.scid  }
0x8b: {  	s0 =	sand.u32 $0x1, s1  }
0x8c: {  	s17 =	sshll.u32 s0, $0xA;
	s2 =	sadd.s32 s3, s2  }
0x8d: {  	s2 =	sadd.s32 s2, s17  }
0x8e: {  	[smem:$0x3FC2] =	sst s2  }
0x8f: {  	_ = 	snop  }
0x90: {  	s2 =	sld [smem:$0x3FD0];
	(tm) =	ssettm $0x1  }
0x91: {  	s18 =	sld [smem:$0x3FFB];
	_ =	sdelay $0x3  }
0x92: {  	_ =	strace s18  }
0x93: {  	s3 =	sld [smem:$0x3FFC];
	_ =	sdelay $0x3  }
0x94: {  	_ =	strace s3  }
0x95: {  	s3 =	sld [smem:$0x3FFD];
	_ =	sdelay $0x3  }
0x96: {  	_ =	strace s3  }
0x97: {  	_ =	strace $0x8FFFFFFF  }
0x98: {  	s19 =	sld [smem:$0x3FDB];
	_ =	sdelay $0x1  }
0x99: {  	s4 =	simm.s32 $_scs_section_size  }
0x9a: {  	s5 =	simm.s32 $_size__tile_overlayer_lowered;
	s6 =	simm.s32 $_tile_overlayer_lowered  }
0x9b: {  	s22 =	simm.s32 $0x1BFF;
	s21 =	sshll.u32 s6, $0x1;
	s3 =	sadd.s32 s4, s19  }
0x9c: {  	s7 =	simm.s32 $0x0;
	s20 =	sshll.u32 s5, $0x1;
	s5 =	sadd.s32 s21, s3  }
0x9d: {  	[timem:s7], [sflag:s22] =	dma.local [hbm:s5], s20  }
0x9e: {  	_ =	swait.ge [sflag:s22], s20  }
0x9f: {  	s4 =	ssub.s32 $0x0, s20;
	[sflag:s22] =	ssyncset.done $0x0  }
0xa0: {  	[sflag:s22] =	ssyncadd.s32 s4;
	_ =	sdelay $0x1  }
0xa1: {  	s23 =	simm.s32 $0x1B8B  }
0xa2: {  	_ =	swait.ge [sflag:s23], $0x1  }
0xa3: {  	[sflag:s23] =	ssyncset.done $0x0  }
0xa4: {  	s25 =	simm.s32 $0x1B8E;
	s24 =	sld [smem:$0x3FFE];
	[sflag:s23] =	ssyncadd.s32 $0xFFFFFFFF  }
0xa5: {  	s26 =	simm.s32 $execute0_lowered;
	[smem:$0x3FD2] =	sst s25  }
0xa6: {  	s5 =	sshll.u32 s26, $0x1;
	_ =	strace $0x80000046;
	[dreg:$0x1] =	wrdreg $0xFFFFFFFF  }
0xa7: {  	s28 =	simm.s32 $_size_execute0_lowered;
	s3 =	sadd.s32 s3, s5;
	[dreg:$0x0] =	wrdreg $0x0  }
0xa8: {  	s5 =	sshll.u32 s28, $0x1;
	[dreg:$0x2] =	wrdreg s3  }
0xa9: {  	[dreg:$0x3] =	wrdreg s5  }
0xaa: {  	[dreg:$0x4] =	wrdreg $0xC0  }
0xab: {  	_ =	task [dreg:s7], $0x5FFFF  }
0xac: {  	[dreg:$0x1] =	wrdreg $0xFFFFFFFF  }
0xad: {  	[dreg:$0x0] =	wrdreg $0x60  }
0xae: {  	[dreg:$0x2] =	wrdreg s24  }
0xaf: {  	[dreg:$0x3] =	wrdreg s2  }
0xb0: {  	[dreg:$0x4] =	wrdreg $0x9  }
0xb1: {  	_ =	task.clear_ibuf [dreg:s7], $0x5FFFF;
	_ =	strace $0x90000046  }
0xb2: {  	s29 =	simm.s32 $0x9;
	_ =	strace $0x80000048  }
0xb3: {  	_ =	swait.ge [sflag:s29], $0x1  }
0xb4: {  	[sflag:s29] =	ssyncadd.s32 $0xFFFFFFFF  }
0xb5: {  	_ =	strace $0x90000048  }
0xb6: {  	_ =	sfence  }
0xb7: {  	s30 =	sld [smem:$0x0];
	_ =	sdelay $0x2  }
0xb8: {  	s31 =	sshll.u32 s1, $0xD;
	s1 =	sshrl.u32 s1, $0x2  }
0xb9: {  	s3 =	sand.u32 $0x4000, s31;
	s1 =	sadd.s32 s1, s30  }
0xba: {  	s0 =	sor.u32 s3, s0;
	s1 =	sshll.u32 s1, $0x11  }
0xbb: {  	s0 =	sor.u32 s1, s0  }
0xbc: {  	s0 =	sadd.s32 $0x8F2B, s0  }
0xbd: {  	[sflag:s0] =	ssyncadd.remote.s32 $0x1  }
0xbe: {  	_ =	sfence.sel $0xFFFF  }
0xbf: {  	[dreg:$0x0] =	wrdreg $0xFFFFFFFF;
	(pc) =	sbr.abs _section_cstart, $3  }
0xc0: {  	[dreg:$0x1] =	wrdreg $0xFFFFFFFF  }
0xc1: {  	_ =	task.clear_ibuf [dreg:s7], $0x2FFFF;
	_ =	strace $0x9FFFFFFF  }
0xc2: {  	(tm) =	ssettm $0x7FFFFFFF  }
0xc3: {  	_ =	shalt  }
tec
execute0_lowered:
.L_overlay_start_1:
0x0: {  	(tag) =	ssettag $0x1  }
0x1: {  	s1 =	srdreg.scid;
	s4 =	rddreg [dreg:$0x0]  }
0x2: {  	s0 =	stileid.u32;
	s7 =	rddreg [dreg:$0x1]  }
0x3: {  	s2 =	simm.s32 $0x0;
	s31 =	simm.s32 $0x800;
	s12 =	simm.s32 $0x100  }
0x4: {  	s11 =	simm.s32 $0x2C00;
	s13 =	simm.s32 $0x180;
	s14 =	simm.s32 $0x200  }
0x5: {  	s15 =	simm.s32 $0x280;
	s16 =	simm.s32 $0x300;
	s17 =	simm.s32 $0x380  }
0x6: {  	s18 =	simm.s32 $0xEC00;
	s19 =	simm.s32 $0x1;
	s20 =	simm.s32 $0x480  }
0x7: {  	s21 =	simm.s32 $0x500;
	s22 =	simm.s32 $0x580;
	s23 =	simm.s32 $0x600  }
0x8: {  	s28 =	simm.s32 $0x3;
	s29 =	simm.s32 $0x0;
	[smem:$0x7FF] =	sst s2  }
0x9: {  	s3 =	smul.u32 $0xC800, s0;
	_ =	strace $0x80000047;
	[dreg:$0x6] =	wrdreg s31  }
0xa: {  	s6 =	sand.u32 $0x1, s1;
	s26 =	smul.u32 $0x64000, s0;
	[dreg:$0x7] =	wrdreg s12  }
0xb: {  	s5 =	smul.u32 $0x6400, s6;
	s24 =	ssub.s32 $0x2, s6;
	[dreg:$0x8] =	wrdreg s13  }
0xc: {  	s6 =	smul.u32 $0x32000, s6;
	s12 =	simm.s32 $0x4C00;
	[dreg:$0x9] =	wrdreg s14  }
0xd: {  	s13 =	simm.s32 $0x6C00;
	s14 =	simm.s32 $0x8C00;
	[dreg:$0xa] =	wrdreg s15  }
0xe: {  	s15 =	simm.s32 $0xAC00;
	[dreg:$0xb] =	wrdreg s16;
	s16 =	simm.s32 $0xCC00  }
0xf: {  	s9 =	sshrl.u32 s24, $0x1;
	s7 =	sadd.s32 s26, s7;
	s26 =	simm.s32 $0x780  }
0x10: {  	s3 =	sadd.s32 s5, s3;
	s5 =	ssub.s32 s24, s9;
	s6 =	sadd.s32 s6, s7  }
0x11: {  	s7 =	simm.s32 $0x400;
	s9 =	simm.s32 $0x80;
	s3 =	sshrl.u32 s3, $0x3  }
0x12: {  	s24 =	simm.s32 $0x680;
	s25 =	smax.u32 s5, $0x1;
	s8 =	sadd.s32 s3, s4  }
0x13: {  	s3 =	sadd.s32 $0xF43600, s4;
	[dreg:$0xc] =	wrdreg s25;
	s10 =	sadd.s32 $0x1200, s8  }
0x14: {  	s4 =	sadd.s32 $0x4C200, s4;
	s30 =	sadd.s32 $0x1A200, s8;
	[dreg:$0x3] =	wrdreg s10  }
0x15: {  	s25 =	simm.s32 $0x700;
	s8 =	sadd.s32 $0x33200, s8;
	[dreg:$0x4] =	wrdreg s30  }
0x16: {  	[dreg:$0x5] =	wrdreg s8;
	s8 =	simm.s32 $0x2;
	s10 =	simm.s32 $0xC00  }
.LBB2_1:
0x17: {  	s30 =	smov.u32 s6;
	s31 =	simm.s32 $0x0  }
.LBB2_2:
0x18: {  	s1 =	rddreg [dreg:$0x5]  }
0x19: {  	s0 =	rddreg [dreg:$0x6];
	s1 =	sadd.s32 s31, s1  }
0x1a: {  	[tilespmem:s2], [sflag:$0x2] =	stream.linear.gather [hbm4b:s1+s2], $0x400, $0x38;
	[tilespmem:$0x10C00] =	vst v63  }
0x1b: {  	s1 =	rddreg [dreg:$0x4]  }
0x1c: {  	s5 =	rddreg [dreg:$0x3];
	s1 =	sadd.s32 s31, s1  }
0x1d: {  	[tilespmem:s0], [sflag:$0x2] =	stream.linear.gather [hbm4b:s1+s2], $0x400, $0x38;
	[tilespmem:$0x10C00] =	vst v63  }
0x1e: {  	s1 =	sadd.s32 s31, s5  }
0x1f: {  	[tilespmem:s7], [sflag:$0x2] =	stream.linear.gather [hbm4b:s1+s2], $0x400, $0x38;
	[tilespmem:$0x10C00] =	vst v63  }
0x20: {  	_ =	swait.ge [sflag:s8], $0x400  }
0x21: {  	[sflag:s8] =	ssyncset.done $0x0  }
0x22: {  	[sflag:s8] =	ssyncadd.s32 $0xFFFFFC00  }
0x23: {  	_ =	swait.ge [sflag:s8], $0x400  }
0x24: {  	[sflag:s8] =	ssyncset.done $0x0  }
0x25: {  	[sflag:s8] =	ssyncadd.s32 $0xFFFFFC00  }
0x26: {  	_ =	swait.ge [sflag:s8], $0x400  }
0x27: {  	[sflag:s8] =	ssyncset.done $0x0  }
0x28: {  	[sflag:s8] =	ssyncadd.s32 $0xFFFFFC00  }
0x29: {  	v0 =	vld [tilespmem:$0x800]  }
0x2a: {  	v2 =	vld [tilespmem:$0x400]  }
0x2b: {  	v6 =	vld [tilespmem:$0x810]  }
0x2c: {  	v7 =	vld [tilespmem:$0x410]  }
0x2d: {  	v8 =	vld [tilespmem:$0x820]  }
0x2e: {  	v9 =	vld [tilespmem:$0x420]  }
0x2f: {  	v10 =	vld [tilespmem:$0x830]  }
0x30: {  	v11 =	vld [tilespmem:$0x430]  }
0x31: {  	v12 =	vld [tilespmem:$0x840]  }
0x32: {  	v13 =	vld [tilespmem:$0x440]  }
0x33: {  	v14 =	vld [tilespmem:$0x850]  }
0x34: {  	v15 =	vld [tilespmem:$0x450]  }
0x35: {  	v16 =	vld [tilespmem:$0x860]  }
0x36: {  	v17 =	vld [tilespmem:$0x460]  }
0x37: {  	v18 =	vld [tilespmem:$0x870]  }
0x38: {  	v19 =	vld [tilespmem:$0x470]  }
0x39: {  	v20 =	vld [tilespmem:$0x880]  }
0x3a: {  	v21 =	vld [tilespmem:$0x480]  }
0x3b: {  	v22 =	vld [tilespmem:$0x890]  }
0x3c: {  	v23 =	vld [tilespmem:$0x490]  }
0x3d: {  	v24 =	vld [tilespmem:$0x8A0]  }
0x3e: {  	v25 =	vld [tilespmem:$0x4A0]  }
0x3f: {  	v26 =	vld [tilespmem:$0x8B0]  }
0x40: {  	v27 =	vld [tilespmem:$0x4B0]  }
0x41: {  	v28 =	vld [tilespmem:$0x8C0]  }
0x42: {  	v29 =	vld [tilespmem:$0x4C0]  }
0x43: {  	v30 =	vld [tilespmem:$0x8D0]  }
0x44: {  	v31 =	vld [tilespmem:$0x4D0]  }
0x45: {  	v32 =	vld [tilespmem:$0x8E0]  }
0x46: {  	v33 =	vld [tilespmem:$0x4E0]  }
0x47: {  	v34 =	vld [tilespmem:$0x8F0]  }
0x48: {  	v35 =	vld [tilespmem:$0x4F0]  }
0x49: {  	v36 =	vld [tilespmem:$0x900]  }
0x4a: {  	v37 =	vld [tilespmem:$0x500]  }
0x4b: {  	v38 =	vld [tilespmem:$0x910]  }
0x4c: {  	v39 =	vld [tilespmem:$0x510]  }
0x4d: {  	v40 =	vld [tilespmem:$0x920]  }
0x4e: {  	v41 =	vld [tilespmem:$0x520]  }
0x4f: {  	v42 =	vld [tilespmem:$0x930]  }
0x50: {  	v43 =	vld [tilespmem:$0x530]  }
0x51: {  	v44 =	vld [tilespmem:$0x940]  }
0x52: {  	v45 =	vld [tilespmem:$0x540]  }
0x53: {  	v46 =	vld [tilespmem:$0x950]  }
0x54: {  	v47 =	vld [tilespmem:$0x550]  }
0x55: {  	v48 =	vld [tilespmem:$0x960]  }
0x56: {  	v49 =	vld [tilespmem:$0x560]  }
0x57: {  	v50 =	vld [tilespmem:$0x970]  }
0x58: {  	v51 =	vld [tilespmem:$0x570]  }
0x59: {  	v52 =	vld [tilespmem:$0x980]  }
0x5a: {  	v53 =	vld [tilespmem:$0x580]  }
0x5b: {  	v54 =	vld [tilespmem:$0x990]  }
0x5c: {  	v55 =	vld [tilespmem:$0x590]  }
0x5d: {  	v56 =	vld [tilespmem:$0x9A0]  }
0x5e: {  	v57 =	vld [tilespmem:$0x5A0]  }
0x5f: {  	v58 =	vld [tilespmem:$0x9B0]  }
0x60: {  	v59 =	vld [tilespmem:$0x5B0]  }
0x61: {  	v60 =	vld [tilespmem:$0x9C0]  }
0x62: {  	v61 =	vld [tilespmem:$0x5C0]  }
0x63: {  	v1 =	vld [tilespmem:$0x5E0]  }
0x64: {  	v62 =	vld [tilespmem:$0x9D0]  }
0x65: {  	v5 =	vld [tilespmem:$0x5F0]  }
0x66: {  	v63 =	vld [tilespmem:$0x5D0]  }
0x67: {  	v3 =	vld [tilespmem:$0x9E0]  }
0x68: {  	[tilespmem:$0x1FFB0] =	vst v1;
	v1 =	vld [tilespmem:$0x600]  }
0x69: {  	v4 =	vld [tilespmem:$0x9F0];
	v0 =	vmul.u32 $0x19, v0  }
0x6a: {  	[tilespmem:$0x1FFC0] =	vst v5;
	v5 =	vld [tilespmem:$0xA00];
	v8 =	vmul.u32 $0x19, v8  }
0x6b: {  	v0 =	vadd.s32 v2, v0;
	v2 =	vld [tilespmem:$0x620]  }
0x6c: {  	[tilespmem:$0x400] =	vst v0;
	v0 =	vadd.s32 v9, v8;
	v8 =	vmul.u32 $0x19, v12;
	v9 =	vld [tilespmem:$0xA40]  }
0x6d: {  	v12 =	vmul.u32 $0x19, v14;
	[tilespmem:$0x1FFE0] =	vst v1;
	v1 =	vld [tilespmem:$0xA10]  }
0x6e: {  	v14 =	vadd.s32 v13, v8;
	v8 =	vmul.u32 $0x19, v16;
	v16 =	vmul.u32 $0x19, v18;
	v13 =	vld [tilespmem:$0x650]  }
0x6f: {  	v18 =	vmul.u32 $0x19, v20;
	[tilespmem:$0x440] =	vst v14;
	v14 =	vld [tilespmem:$0xA60]  }
0x70: {  	v20 =	vmul.u32 $0x19, v22;
	v19 =	vadd.s32 v19, v16;
	v16 =	vld [tilespmem:$0xA70]  }
0x71: {  	v22 =	vmul.u32 $0x19, v24;
	v21 =	vadd.s32 v21, v18;
	v18 =	vld [tilespmem:$0xA80]  }
0x72: {  	v24 =	vmul.u32 $0x19, v26;
	v23 =	vadd.s32 v23, v20;
	v20 =	vld [tilespmem:$0xA90]  }
0x73: {  	v26 =	vmul.u32 $0x19, v28;
	v25 =	vadd.s32 v25, v22;
	v22 =	vld [tilespmem:$0xAA0]  }
0x74: {  	[tilespmem:$0x420] =	vst v0;
	v17 =	vadd.s32 v17, v8;
	v27 =	vadd.s32 v27, v24;
	v24 =	vld [tilespmem:$0xAB0]  }
0x75: {  	v29 =	vadd.s32 v29, v26;
	v26 =	vld [tilespmem:$0xAC0];
	[tilespmem:$0x460] =	vst v17  }
0x76: {  	v8 =	vld [tilespmem:$0x700];
	[tilespmem:$0x470] =	vst v19  }
0x77: {  	[tilespmem:$0x480] =	vst v21;
	v17 =	vld [tilespmem:$0x670]  }
0x78: {  	[tilespmem:$0x490] =	vst v23;
	v19 =	vld [tilespmem:$0x680]  }
0x79: {  	v28 =	vmul.u32 $0x19, v30;
	v30 =	vmul.u32 $0x19, v32;
	v32 =	vmul.u32 $0x19, v34;
	[tilespmem:$0x4A0] =	vst v25;
	v21 =	vld [tilespmem:$0x690]  }
0x7a: {  	v34 =	vmul.u32 $0x19, v36;
	v36 =	vmul.u32 $0x19, v38;
	v38 =	vmul.u32 $0x19, v40;
	[tilespmem:$0x4B0] =	vst v27;
	v23 =	vld [tilespmem:$0x6A0]  }
0x7b: {  	v42 =	vmul.u32 $0x19, v42;
	v31 =	vadd.s32 v31, v28;
	[tilespmem:$0x4C0] =	vst v29;
	v25 =	vld [tilespmem:$0x6B0]  }
0x7c: {  	v28 =	vadd.s32 v41, v38;
	[tilespmem:$0x4D0] =	vst v31;
	v27 =	vld [tilespmem:$0x6C0]  }
0x7d: {  	v33 =	vadd.s32 v33, v30;
	v30 =	vadd.s32 v43, v42;
	[tilespmem:$0x520] =	vst v28;
	v28 =	vld [tilespmem:$0xAD0]  }
0x7e: {  	v35 =	vadd.s32 v35, v32;
	v37 =	vadd.s32 v37, v34;
	v40 =	vadd.s32 v39, v36;
	[tilespmem:$0x530] =	vst v30;
	v30 =	vld [tilespmem:$0xAE0]  }
0x7f: {  	v39 =	vmul.u32 $0x19, v54;
	[tilespmem:$0x4F0] =	vst v35;
	v35 =	vmul.u32 $0x19, v50;
	v50 =	vmul.u32 $0x19, v4;
	v4 =	vld [tilespmem:$0xB10]  }
0x80: {  	v41 =	vmul.u32 $0x19, v56;
	[tilespmem:$0x500] =	vst v37;
	v37 =	vmul.u32 $0x19, v52;
	v52 =	vmul.u32 $0x19, v5;
	v5 =	vld [tilespmem:$0x710]  }
0x81: {  	[tilespmem:$0x4E0] =	vst v33;
	v42 =	vadd.s32 v55, v39;
	v55 =	vld [tilespmem:$0x1FFE0]  }
0x82: {  	[tilespmem:$0x510] =	vst v40;
	v29 =	vmul.u32 $0x19, v44;
	v44 =	vadd.s32 v57, v41;
	v41 =	vld [tilespmem:$0xB60]  }
0x83: {  	v43 =	vmul.u32 $0x19, v58;
	v31 =	vmul.u32 $0x19, v46;
	[tilespmem:$0x1FFD0] =	vst v1;
	v1 =	vld [tilespmem:$0x610]  }
0x84: {  	v33 =	vmul.u32 $0x19, v48;
	v32 =	vadd.s32 v45, v29;
	v29 =	vld [tilespmem:$0x6D0];
	[tilespmem:$0x590] =	vst v42  }
0x85: {  	v46 =	vadd.s32 v59, v43;
	v34 =	vadd.s32 v47, v31;
	v31 =	vld [tilespmem:$0x6E0];
	[tilespmem:$0x5A0] =	vst v44  }
0x86: {  	v36 =	vadd.s32 v49, v33;
	v33 =	vld [tilespmem:$0x6F0];
	[tilespmem:$0x5B0] =	vst v46  }
0x87: {  	v38 =	vadd.s32 v51, v35;
	v51 =	vld [tilespmem:$0x1FFB0];
	[tilespmem:$0x540] =	vst v32  }
0x88: {  	v40 =	vadd.s32 v53, v37;
	v53 =	vld [tilespmem:$0x1FFC0];
	[tilespmem:$0x550] =	vst v34  }
0x89: {  	v45 =	vmul.u32 $0x19, v60;
	v35 =	vld [tilespmem:$0xB20];
	[tilespmem:$0x560] =	vst v36  }
0x8a: {  	v47 =	vmul.u32 $0x19, v62;
	v60 =	vmul.u32 $0x19, v9;
	v9 =	vld [tilespmem:$0x740];
	[tilespmem:$0x570] =	vst v38  }
0x8b: {  	v44 =	vld [tilespmem:$0x760];
	[tilespmem:$0x580] =	vst v40;
	v48 =	vadd.s32 v61, v45  }
0x8c: {  	v32 =	vld [tilespmem:$0xAF0];
	v49 =	vadd.s32 v63, v47;
	v16 =	vmul.u32 $0x19, v16;
	[tilespmem:$0x5C0] =	vst v48  }
0x8d: {  	v34 =	vld [tilespmem:$0xB00];
	v37 =	vmul.u32 $0x19, v18;
	[tilespmem:$0x5D0] =	vst v49  }
0x8e: {  	v54 =	vld [tilespmem:$0x1FFD0];
	v40 =	vmul.u32 $0x19, v20;
	v39 =	vadd.s32 v17, v16;
	[tilespmem:$0x1FFF0] =	vst v1  }
0x8f: {  	v38 =	vld [tilespmem:$0x750];
	v43 =	vmul.u32 $0x19, v22;
	v42 =	vadd.s32 v19, v37;
	[tilespmem:$0x670] =	vst v39  }
0x90: {  	v47 =	vld [tilespmem:$0xB70];
	v45 =	vadd.s32 v21, v40;
	v21 =	vmul.u32 $0x19, v4;
	v1 =	vmul.u32 $0x19, v6;
	[tilespmem:$0x680] =	vst v42  }
0x91: {  	v22 =	vld [tilespmem:$0xBA0];
	v49 =	vmul.u32 $0x19, v26;
	v48 =	vadd.s32 v23, v43;
	[tilespmem:$0x690] =	vst v45  }
0x92: {  	v40 =	vld [tilespmem:$0xBD0];
	[tilespmem:$0x6A0] =	vst v48;
	v26 =	vadd.s32 v5, v21;
	v7 =	vadd.s32 v7, v1;
	v1 =	vmul.u32 $0x19, v10  }
0x93: {  	v6 =	vld [tilespmem:$0xA20];
	[tilespmem:$0x710] =	vst v26  }
0x94: {  	v43 =	vld [tilespmem:$0x7D0];
	[tilespmem:$0x410] =	vst v7;
	v0 =	vadd.s32 v11, v1  }
0x95: {  	v3 =	vmul.u32 $0x19, v3;
	v57 =	vld [tilespmem:$0x1FFF0];
	v1 =	vmul.u32 $0x19, v54;
	v54 =	vadd.s32 v27, v49;
	[tilespmem:$0x430] =	vst v0  }
0x96: {  	v46 =	vmul.u32 $0x19, v24;
	v10 =	vld [tilespmem:$0xA30];
	v0 =	vadd.s32 v15, v12;
	[tilespmem:$0x6C0] =	vst v54  }
0x97: {  	v7 =	vld [tilespmem:$0x630];
	[tilespmem:$0x450] =	vst v0;
	v0 =	vadd.s32 v51, v3  }
0x98: {  	v11 =	vld [tilespmem:$0x640];
	v56 =	vmul.u32 $0x19, v6;
	v51 =	vadd.s32 v25, v46;
	[tilespmem:$0x5E0] =	vst v0  }
0x99: {  	v49 =	vld [tilespmem:$0xBF0];
	v0 =	vadd.s32 v53, v50;
	[tilespmem:$0x6B0] =	vst v51  }
0x9a: {  	v12 =	vld [tilespmem:$0xA50];
	v59 =	vadd.s32 v2, v56;
	[tilespmem:$0x5F0] =	vst v0  }
0x9b: {  	v15 =	vld [tilespmem:$0x660];
	v58 =	vmul.u32 $0x19, v10;
	v0 =	vadd.s32 v55, v52;
	[tilespmem:$0x620] =	vst v59  }
0x9c: {  	v6 =	vld [tilespmem:$0x720];
	[tilespmem:$0x600] =	vst v0;
	v0 =	vadd.s32 v57, v1  }
0x9d: {  	v3 =	vld [tilespmem:$0x730];
	v52 =	vmul.u32 $0x19, v28;
	v61 =	vadd.s32 v7, v58;
	[tilespmem:$0x610] =	vst v0  }
0x9e: {  	v25 =	vld [tilespmem:$0x7A0];
	v55 =	vmul.u32 $0x19, v30;
	v63 =	vadd.s32 v11, v60;
	[tilespmem:$0x630] =	vst v61  }
0x9f: {  	v24 =	vmul.u32 $0x19, v35;
	v46 =	vld [tilespmem:$0xBE0];
	[tilespmem:$0x640] =	vst v63;
	v57 =	vadd.s32 v29, v52  }
0xa0: {  	v10 =	vld [tilespmem:$0xB30];
	v58 =	vmul.u32 $0x19, v32;
	v60 =	vadd.s32 v31, v55;
	[tilespmem:$0x6D0] =	vst v57  }
0xa1: {  	v53 =	vld [tilespmem:$0xB80];
	v62 =	vmul.u32 $0x19, v12;
	v29 =	vadd.s32 v6, v24;
	[tilespmem:$0x6E0] =	vst v60  }
0xa2: {  	v50 =	vld [tilespmem:$0x770];
	v12 =	vmul.u32 $0x19, v14;
	v63 =	vadd.s32 v33, v58;
	[tilespmem:$0x720] =	vst v29  }
0xa3: {  	v56 =	vld [tilespmem:$0x780];
	v61 =	vmul.u32 $0x19, v34;
	v14 =	vadd.s32 v13, v62;
	[tilespmem:$0x6F0] =	vst v63  }
0xa4: {  	v48 =	vmul.u32 $0x19, v22;
	v28 =	vld [tilespmem:$0xBB0];
	v36 =	vadd.s32 v15, v12;
	[tilespmem:$0x650] =	vst v14  }
0xa5: {  	v7 =	vld [tilespmem:$0xB40];
	v57 =	vmul.u32 $0x19, v40;
	v23 =	vadd.s32 v8, v61;
	[tilespmem:$0x660] =	vst v36  }
0xa6: {  	v11 =	vld [tilespmem:$0xB50];
	v27 =	vmul.u32 $0x19, v10;
	v42 =	vmul.u32 $0x19, v53;
	v53 =	vadd.s32 v25, v48;
	[tilespmem:$0x700] =	vst v23  }
0xa7: {  	v31 =	vld [tilespmem:$0x7B0];
	[tilespmem:$0x7A0] =	vst v53;
	v60 =	vadd.s32 v43, v57  }
0xa8: {  	v55 =	vld [tilespmem:$0x7F0];
	v36 =	vmul.u32 $0x19, v41;
	v32 =	vadd.s32 v3, v27;
	[tilespmem:$0x7D0] =	vst v60  }
0xa9: {  	v39 =	vmul.u32 $0x19, v47;
	v59 =	vld [tilespmem:$0xB90];
	v47 =	vadd.s32 v56, v42;
	[tilespmem:$0x730] =	vst v32  }
0xaa: {  	v34 =	vld [tilespmem:$0xBC0];
	v51 =	vmul.u32 $0x19, v28;
	v41 =	vadd.s32 v44, v36;
	[tilespmem:$0x780] =	vst v47  }
0xab: {  	v62 =	vld [tilespmem:$0x790];
	v61 =	vmul.u32 $0x19, v49;
	v44 =	vadd.s32 v50, v39;
	[tilespmem:$0x760] =	vst v41  }
0xac: {  	v37 =	vld [tilespmem:$0x7C0];
	v30 =	vmul.u32 $0x19, v7;
	v56 =	vadd.s32 v31, v51;
	[tilespmem:$0x770] =	vst v44  }
0xad: {  	v52 =	vld [tilespmem:$0x7E0];
	v33 =	vmul.u32 $0x19, v11;
	v63 =	vadd.s32 v55, v61;
	[tilespmem:$0x7B0] =	vst v56  }
0xae: {  	v45 =	vmul.u32 $0x19, v59;
	v35 =	vadd.s32 v9, v30;
	[tilespmem:$0x7F0] =	vst v63  }
0xaf: {  	v54 =	vmul.u32 $0x19, v34;
	v38 =	vadd.s32 v38, v33;
	[tilespmem:$0x740] =	vst v35  }
0xb0: {  	v59 =	vmul.u32 $0x19, v46;
	[tilespmem:$0x750] =	vst v38;
	v50 =	vadd.s32 v62, v45  }
0xb1: {  	v58 =	vadd.s32 v37, v54;
	[tilespmem:$0x790] =	vst v50  }
0xb2: {  	v62 =	vadd.s32 v52, v59;
	[tilespmem:$0x7C0] =	vst v58  }
0xb3: {  	[tilespmem:$0x7E0] =	vst v62  }
0xb4: {  	[tilespmem:s10], [sflag:$0x1] =	stream.indirect.gather [hbm4b:s3+s9], $0x40, s2, s9, $0xb8;
	[tilespmem:$0x10C00] =	vst v63  }
0xb5: {  	_ = 	snop  }
0xb6: {  	[tilespmem:s11], [sflag:$0x1] =	stream.indirect.gather [hbm4b:s3+s9], $0x40, s9, s9, $0xb8;
	[tilespmem:$0x10C00] =	vst v63  }
0xb7: {  	s5 =	rddreg [dreg:$0x7]  }
0xb8: {  	[tilespmem:s12], [sflag:$0x1] =	stream.indirect.gather [hbm4b:s3+s9], $0x40, s5, s9, $0xb8;
	[tilespmem:$0x10C00] =	vst v63  }
0xb9: {  	s1 =	rddreg [dreg:$0x8]  }
0xba: {  	[tilespmem:s13], [sflag:$0x1] =	stream.indirect.gather [hbm4b:s3+s9], $0x40, s1, s9, $0xb8;
	[tilespmem:$0x10C00] =	vst v63  }
0xbb: {  	s5 =	rddreg [dreg:$0x9]  }
0xbc: {  	[tilespmem:s14], [sflag:$0x1] =	stream.indirect.gather [hbm4b:s3+s9], $0x40, s5, s9, $0xb8;
	[tilespmem:$0x10C00] =	vst v63  }
0xbd: {  	s1 =	rddreg [dreg:$0xa]  }
0xbe: {  	[tilespmem:s15], [sflag:$0x1] =	stream.indirect.gather [hbm4b:s3+s9], $0x40, s1, s9, $0xb8;
	[tilespmem:$0x10C00] =	vst v63  }
0xbf: {  	s5 =	rddreg [dreg:$0xb]  }
0xc0: {  	[tilespmem:s16], [sflag:$0x1] =	stream.indirect.gather [hbm4b:s3+s9], $0x40, s5, s9, $0xb8;
	[tilespmem:$0x10C00] =	vst v63  }
0xc1: {  	_ = 	snop  }
0xc2: {  	[tilespmem:s18], [sflag:$0x1] =	stream.indirect.gather [hbm4b:s3+s9], $0x40, s17, s9, $0xb8;
	[tilespmem:$0x10C00] =	vst v63  }
0xc3: {  	_ =	swait.ge [sflag:s19], $0x2000  }
0xc4: {  	[sflag:s19] =	ssyncset.done $0x0  }
0xc5: {  	[sflag:s19] =	ssyncadd.s32 $0xFFFFE000  }
0xc6: {  	_ =	swait.ge [sflag:s19], $0x2000  }
0xc7: {  	[sflag:s19] =	ssyncset.done $0x0  }
0xc8: {  	[sflag:s19] =	ssyncadd.s32 $0xFFFFE000  }
0xc9: {  	_ =	swait.ge [sflag:s19], $0x2000  }
0xca: {  	[sflag:s19] =	ssyncset.done $0x0  }
0xcb: {  	[sflag:s19] =	ssyncadd.s32 $0xFFFFE000  }
0xcc: {  	_ =	swait.ge [sflag:s19], $0x2000  }
0xcd: {  	[sflag:s19] =	ssyncset.done $0x0  }
0xce: {  	[sflag:s19] =	ssyncadd.s32 $0xFFFFE000  }
0xcf: {  	_ =	swait.ge [sflag:s19], $0x2000  }
0xd0: {  	[sflag:s19] =	ssyncset.done $0x0  }
0xd1: {  	[sflag:s19] =	ssyncadd.s32 $0xFFFFE000  }
0xd2: {  	_ =	swait.ge [sflag:s19], $0x2000  }
0xd3: {  	[sflag:s19] =	ssyncset.done $0x0  }
0xd4: {  	[sflag:s19] =	ssyncadd.s32 $0xFFFFE000  }
0xd5: {  	_ =	swait.ge [sflag:s19], $0x2000  }
0xd6: {  	[sflag:s19] =	ssyncset.done $0x0  }
0xd7: {  	[sflag:s19] =	ssyncadd.s32 $0xFFFFE000  }
0xd8: {  	_ =	swait.ge [sflag:s19], $0x2000  }
0xd9: {  	[sflag:s19] =	ssyncset.done $0x0  }
0xda: {  	[sflag:s19] =	ssyncadd.s32 $0xFFFFE000  }
0xdb: {  	[tilespmem:s10], [sflag:$0x1] =	stream.indirect.gather.add.f32 [hbm:s4], $0x40, s7, s9, $0xb8;
	[tilespmem:$0x10C00] =	vst v63  }
0xdc: {  	_ = 	snop  }
0xdd: {  	[tilespmem:s11], [sflag:$0x1] =	stream.indirect.gather.add.f32 [hbm:s4], $0x40, s20, s9, $0xb8;
	[tilespmem:$0x10C00] =	vst v63  }
0xde: {  	_ = 	snop  }
0xdf: {  	[tilespmem:s12], [sflag:$0x1] =	stream.indirect.gather.add.f32 [hbm:s4], $0x40, s21, s9, $0xb8;
	[tilespmem:$0x10C00] =	vst v63  }
0xe0: {  	_ = 	snop  }
0xe1: {  	[tilespmem:s13], [sflag:$0x1] =	stream.indirect.gather.add.f32 [hbm:s4], $0x40, s22, s9, $0xb8;
	[tilespmem:$0x10C00] =	vst v63  }
0xe2: {  	_ = 	snop  }
0xe3: {  	[tilespmem:s14], [sflag:$0x1] =	stream.indirect.gather.add.f32 [hbm:s4], $0x40, s23, s9, $0xb8;
	[tilespmem:$0x10C00] =	vst v63  }
0xe4: {  	_ = 	snop  }
0xe5: {  	[tilespmem:s15], [sflag:$0x1] =	stream.indirect.gather.add.f32 [hbm:s4], $0x40, s24, s9, $0xb8;
	[tilespmem:$0x10C00] =	vst v63  }
0xe6: {  	_ = 	snop  }
0xe7: {  	[tilespmem:s16], [sflag:$0x1] =	stream.indirect.gather.add.f32 [hbm:s4], $0x40, s25, s9, $0xb8;
	[tilespmem:$0x10C00] =	vst v63  }
0xe8: {  	_ = 	snop  }
0xe9: {  	[tilespmem:s18], [sflag:$0x1] =	stream.indirect.gather.add.f32 [hbm:s4], $0x40, s26, s9, $0xb8;
	[tilespmem:$0x10C00] =	vst v63  }
0xea: {  	_ =	swait.ge [sflag:s19], $0x2000  }
0xeb: {  	[sflag:s19] =	ssyncset.done $0x0  }
0xec: {  	[sflag:s19] =	ssyncadd.s32 $0xFFFFE000  }
0xed: {  	_ =	swait.ge [sflag:s19], $0x2000  }
0xee: {  	[sflag:s19] =	ssyncset.done $0x0  }
0xef: {  	[sflag:s19] =	ssyncadd.s32 $0xFFFFE000  }
0xf0: {  	_ =	swait.ge [sflag:s19], $0x2000  }
0xf1: {  	[sflag:s19] =	ssyncset.done $0x0  }
0xf2: {  	[sflag:s19] =	ssyncadd.s32 $0xFFFFE000  }
0xf3: {  	_ =	swait.ge [sflag:s19], $0x2000  }
0xf4: {  	[sflag:s19] =	ssyncset.done $0x0  }
0xf5: {  	[sflag:s19] =	ssyncadd.s32 $0xFFFFE000  }
0xf6: {  	_ =	swait.ge [sflag:s19], $0x2000  }
0xf7: {  	[sflag:s19] =	ssyncset.done $0x0  }
0xf8: {  	[sflag:s19] =	ssyncadd.s32 $0xFFFFE000  }
0xf9: {  	_ =	swait.ge [sflag:s19], $0x2000  }
0xfa: {  	[sflag:s19] =	ssyncset.done $0x0  }
0xfb: {  	[sflag:s19] =	ssyncadd.s32 $0xFFFFE000  }
0xfc: {  	_ =	swait.ge [sflag:s19], $0x2000  }
0xfd: {  	[sflag:s19] =	ssyncset.done $0x0  }
0xfe: {  	[sflag:s19] =	ssyncadd.s32 $0xFFFFE000  }
0xff: {  	_ =	swait.ge [sflag:s19], $0x2000  }
0x100: {  	p0 =	sne.s32 s31, $0xC00;
	[sflag:s19] =	ssyncset.done $0x0  }
.Ltmp0:
0x101: {  	[sflag:s19] =	ssyncadd.s32 $0xFFFFE000;
	(pc) =	sbr.rel @p0 .LBB2_2-.Ltmp0, $4  }
0x102: {  	[hbm4b:s30+s2] =	stream.linear.scatter [tilespmem:s10], [sflag:$0x3], $0x10000, $0x38;
	[tilespmem:$0x10C00] =	vst v63  }
0x103: {  	_ =	swait.ge [sflag:s28], $0x10000  }
0x104: {  	[sflag:s28] =	ssyncset.done $0x0  }
0x105: {  	s31 =	sadd.s32 $0x80, s31;
	s30 =	sadd.s32 $0x2000, s30;
	[sflag:s28] =	ssyncadd.s32 $0xFFFF0000  }
0x106: {  	s29 =	sadd.s32 $0x1, s29;
	s0 =	rddreg [dreg:$0xc]  }
0x107: {  	p0 =	sne.s32 s29, s0  }
.Ltmp1:
0x108: {  	_ = 	snop;
	(pc) =	sbr.rel @p0 .LBB2_1-.Ltmp1, $1  }
0x109: {  	_ =	sdelay $0x3  }
0x10a: {  	_ =	sfence.sel $0x180000  }
0x10b: {  	[bflag:$0x0] =	sbarrier.arrive $0xFFFF  }
0x10c: {  	_ =	strace $0x90000047  }
0x10d: {  	s0 =	stileid.u32;
	[bflag:$0x2] =	sbarrier.arrive $0xFFFF  }
0x10e: {  	p0 =	sne.s32 s0, $0x0;
	s0 =	rddreg [dreg:$0x2]  }
0x10f: {  	s0 =	sadd.s32 @!p0 $0x100000, s0  }
0x110: {  	[sflag:s0] =	ssyncadd.tile.s32 @!p0 $0x1;
	_ =	shalt  }
.Lfunc_end2:
_tile_overlayer_lowered:
.L_overlay_start_2:
0x111: {  	(tag) =	ssettag $0x2  }
0x112: {  	s0 =	rddreg [dreg:$0x0];
	s2 =	stileid.u32  }
0x113: {  	s1 =	rddreg [dreg:$0x1];
	p0 =	sne.s32 s2, $0x0  }
0x114: {  	s3 =	rddreg [dreg:$0x2];
	[bflag:$0x3] =	sbarrier.arrive $0xFFFF;
	s2 =	simm.s32 @!p0 $0x1C03  }
0x115: {  	[timem:s3], [sflag:s2] =	dma.local @!p0 [hbm:s0], s1  }
0x116: {  	s0 =	simm.s32 @!p0 $0x3  }
0x117: {  	_ =	swait.ge @!p0 [sflag:s0], s1  }
0x118: {  	s1 =	ssub.s32 @!p0 $0x0, s1;
	[sflag:s0] =	ssyncset.done @!p0 $0x0  }
0x119: {  	[sflag:s0] =	ssyncadd.s32 @!p0 s1  }
0x11a: {  	[bflag:$0x3] =	sbarrier.arrive $0xFFFF  }
0x11b: {  	_ =	shalt  }

// kernel: sparse-core-data-format-call.cloned.1.call-start
scs
called_computation_lowered:
.L_overlay_start_0:
0x0: {  	s2 =	sld [smem:$0x3FD9]  }
0x1: {  	s3 =	sld [smem:$0x3FFE];
	_ =	sdelay $0x1  }
0x2: {  	s1 =	srdreg.scid  }
0x3: {  	s0 =	sand.u32 $0x1, s1  }
0x4: {  	s18 =	sshll.u32 s0, $0xA;
	s2 =	sadd.s32 s3, s2  }
0x5: {  	s2 =	sadd.s32 s2, s18  }
0x6: {  	[smem:$0x3FC2] =	sst s2  }
0x7: {  	_ = 	snop  }
0x8: {  	s2 =	sld [smem:$0x3FD0];
	(tm) =	ssettm $0x1  }
0x9: {  	s19 =	sld [smem:$0x3FFB];
	_ =	sdelay $0x3  }
0xa: {  	_ =	strace s19  }
0xb: {  	s3 =	sld [smem:$0x3FFC];
	_ =	sdelay $0x3  }
0xc: {  	_ =	strace s3  }
0xd: {  	s3 =	sld [smem:$0x3FFD];
	_ =	sdelay $0x3  }
0xe: {  	_ =	strace s3  }
0xf: {  	_ =	strace $0x8FFFFFFF  }
0x10: {  	s20 =	sld [smem:$0x3FDB];
	_ =	sdelay $0x1  }
0x11: {  	s4 =	simm.s32 $_scs_section_size  }
0x12: {  	s5 =	simm.s32 $_size__tile_overlayer_lowered;
	s6 =	simm.s32 $_tile_overlayer_lowered  }
0x13: {  	s23 =	simm.s32 $0x1BFF;
	s22 =	sshll.u32 s6, $0x1;
	s3 =	sadd.s32 s4, s20  }
0x14: {  	s7 =	simm.s32 $0x0;
	s21 =	sshll.u32 s5, $0x1;
	s5 =	sadd.s32 s22, s3  }
0x15: {  	[timem:s7], [sflag:s23] =	dma.local [hbm:s5], s21  }
0x16: {  	_ =	swait.ge [sflag:s23], s21  }
0x17: {  	s4 =	ssub.s32 $0x0, s21;
	[sflag:s23] =	ssyncset.done $0x0  }
0x18: {  	[sflag:s23] =	ssyncadd.s32 s4;
	_ =	sdelay $0x1  }
0x19: {  	s24 =	simm.s32 $0x1B8B  }
0x1a: {  	_ =	swait.ge [sflag:s24], $0x1  }
0x1b: {  	[sflag:s24] =	ssyncset.done $0x0  }
0x1c: {  	s26 =	simm.s32 $0x1B8E;
	s25 =	sld [smem:$0x3FFE];
	[sflag:s24] =	ssyncadd.s32 $0xFFFFFFFF  }
0x1d: {  	s27 =	simm.s32 $execute0_lowered;
	[smem:$0x3FD2] =	sst s26  }
0x1e: {  	s5 =	sshll.u32 s27, $0x1;
	_ =	strace $0x80000049;
	[dreg:$0x1] =	wrdreg $0xFFFFFFFF  }
0x1f: {  	s28 =	simm.s32 $_size_execute0_lowered;
	s3 =	sadd.s32 s3, s5;
	[dreg:$0x0] =	wrdreg $0x0  }
0x20: {  	s5 =	sshll.u32 s28, $0x1;
	[dreg:$0x2] =	wrdreg s3  }
0x21: {  	[dreg:$0x3] =	wrdreg s5  }
0x22: {  	[dreg:$0x4] =	wrdreg $0xC0  }
0x23: {  	_ =	task [dreg:s7], $0x5FFFF  }
0x24: {  	[dreg:$0x1] =	wrdreg $0xFFFFFFFF  }
0x25: {  	[dreg:$0x0] =	wrdreg $0x60  }
0x26: {  	[dreg:$0x2] =	wrdreg s25  }
0x27: {  	[dreg:$0x3] =	wrdreg s2  }
0x28: {  	[dreg:$0x4] =	wrdreg $0x9  }
0x29: {  	_ =	task.clear_ibuf [dreg:s7], $0x5FFFF;
	_ =	strace $0x90000049  }
0x2a: {  	s29 =	simm.s32 $0x9;
	_ =	strace $0x8000004B  }
0x2b: {  	_ =	swait.ge [sflag:s29], $0x1  }
0x2c: {  	[sflag:s29] =	ssyncadd.s32 $0xFFFFFFFF  }
0x2d: {  	_ =	strace $0x9000004B  }
0x2e: {  	_ =	sfence  }
0x2f: {  	s30 =	sld [smem:$0x0];
	_ =	sdelay $0x2  }
0x30: {  	s31 =	sshll.u32 s1, $0xD;
	s1 =	sshrl.u32 s1, $0x2  }
0x31: {  	s3 =	sand.u32 $0x4000, s31;
	s1 =	sadd.s32 s1, s30  }
0x32: {  	s0 =	sor.u32 s3, s0;
	s1 =	sshll.u32 s1, $0x11  }
0x33: {  	s0 =	sor.u32 s1, s0  }
0x34: {  	s0 =	sadd.s32 $0x8F2B, s0  }
0x35: {  	[sflag:s0] =	ssyncadd.remote.s32 $0x1  }
0x36: {  	_ =	sfence.sel $0xFFFF  }
0x37: {  	[dreg:$0x0] =	wrdreg $0xFFFFFFFF;
	(pc) =	sbr.abs _section_cstart, $3  }
0x38: {  	[dreg:$0x1] =	wrdreg $0xFFFFFFFF  }
0x39: {  	_ =	task.clear_ibuf [dreg:s7], $0x2FFFF;
	_ =	strace $0x9FFFFFFF  }
0x3a: {  	(tm) =	ssettm $0x7FFFFFFF  }
0x3b: {  	_ =	shalt  }
tec
execute0_lowered:
.L_overlay_start_1:
0x0: {  	(tag) =	ssettag $0x1  }
0x1: {  	s0 =	srdreg.scid  }
0x2: {  	s1 =	sshll.u32 s0, $0x4  }
0x3: {  	s0 =	stileid.u32;
	s1 =	sand.u32 $0x10, s1  }
0x4: {  	s1 =	sor.u32 s0, s1  }
0x5: {  	s6 =	rddreg [dreg:$0x0];
	s4 =	simm.s32 $0x1;
	s2 =	sshll.u32 s1, $0x7  }
0x6: {  	s7 =	simm.s32 $0x2;
	s12 =	simm.s32 $0x0;
	s1 =	ssub.s32 $0x1000, s2  }
0x7: {  	s8 =	simm.s32 $0x8000;
	s13 =	simm.s32 $0x0;
	s3 =	sand.u32 $0xF80, s1  }
0x8: {  	s9 =	simm.s32 $0x0;
	s5 =	sshrl.u32 s1, $0xC;
	p0 =	sne.s32 s3, $0x0  }
.Ltmp0:
0x9: {  	s1 =	rddreg [dreg:$0x2];
	s4 =	simm.s32 @!p0 $0x0;
	(pc) =	sbr.rel .LBB1_1-.Ltmp0, $4  }
0xa: {  	s11 =	simm.s32 $0x0;
	s3 =	rddreg [dreg:$0x1];
	s5 =	sadd.s32 s4, s5  }
0xb: {  	_ =	strace $0x8000004A;
	s4 =	simm.s32 $0x1;
	s5 =	smul.u32 $0xC8, s5  }
0xc: {  	s6 =	sadd.s32 $0x1200, s6;
	s10 =	smov.u32 s2;
	[sflag:s4] =	ssyncpa.u1 $0x0  }
0xd: {  	p0 =	por $0x0, $0x0;
	[sflag:s7] =	ssyncpa.u1 $0x0;
	s7 =	sor.u32 $0x1, s5  }
.LBB1_4:
0xe: {  	s16 =	sshll.u32 s13, $0x3;
	s17 =	sand.u32 $0x78, s13  }
0xf: {  	s30 =	sand.u32 $0x7E00, s13;
	s12 =	sshll.u32 s12, $0xF;
	s16 =	sand.u32 $0xC00, s16  }
0x10: {  	[tilespmem:s15+$0x810 ss:$0x81] =	vst.msk $0xffff, v2;
	s31 =	sand.u32 $0x7, s13;
	s16 =	sor.u32 s17, s16;
	s17 =	sadd.s32 s3, s30  }
0x11: {  	[tilespmem:s15+$0x1020 ss:$0x81] =	vst.msk $0xffff, v0;
	s13 =	sshll.u32 s31, $0x12;
	s12 =	sadd.s32 s12, s17;
	s16 =	sshrl.u32 s16, $0x3  }
0x12: {  	[tilespmem:s15+$0x0 ss:$0x81] =	vst.msk $0xffff, v1;
	s13 =	sor.u32 $0x400, s13;
	s12 =	sadd.s32 s16, s12  }
0x13: {  	[hbm4b:s12+s13] =	stream.strided.scatter [tilespmem:s14], [sflag:$0x2], $0x2000, s8, s13, $0x20;
	[tilespmem:$0x8080] =	vst v63  }
.LBB1_5:
0x14: {  	s14 =	sadd.s32 $0x1, s9  }
0x15: {  	s12 =	sadd.s32 $0x1000, s10;
	s16 =	smov.u32 s10;
	p2 =	sgt.s32 s14, $0xC7  }
0x16: {  	s16 =	smov.u32 @p2 s12  }
0x17: {  	s14 =	simm.s32 @p2 $0x0;
	p2 =	sgt.s32 s16, $0xFFF  }
0x18: {  	s16 =	smov.u32 @p2 s2;
	p2 =	sne.s32 s11, s7  }
.Ltmp1:
0x19: {  	p1 =	slt.u32 s11, $0x2;
	(pc) =	sbr.rel @!p2 .LBB1_6-.Ltmp1, $4  }
0x1a: {  	s15 =	simm.s32 @!p1 $0x2  }
0x1b: {  	s13 =	smov.u32 s10;
	p0 =	por !p0, !p0;
	_ =	swait.ge @!p1 [sflag:s15], $0x2000  }
0x1c: {  	s12 =	smov.u32 s9;
	[sflag:s15] =	ssyncset.done @!p1 $0x0;
	s9 =	smov.u32 s14  }
0x1d: {  	s11 =	sadd.s32 $0x1, s11;
	[sflag:s15] =	ssyncadd.s32 @!p1 $0xFFFFE000;
	s10 =	smov.u32 s16  }
.LBB1_1:
0x1e: {  	p1 =	sge.u32 s11, s5  }
0x1f: {  	s14 =	sand.u32 @!p1 $0x1FFFFFF, s9  }
0x20: {  	s15 =	smulhi.u32 @!p1 $0x147AE15, s14;
	_ =	sdelay $0x1  }
0x21: {  	s15 =	smul.u32 @!p1 $0xC8, s15  }
0x22: {  	s16 =	sxor.u32 @!p1 $0xFFFFFFFF, s11;
	s17 =	smul.u32 @!p1 $0xC80, s10  }
0x23: {  	s31 =	sadd.s32 $0xFFFFFFFF, s11;
	s16 =	sshll.u32 @!p1 s16, $0xD;
	s14 =	ssub.s32 @!p1 s14, s15  }
0x24: {  	s15 =	sand.u32 @!p1 $0x2000, s16;
	s16 =	sadd.s32 @!p1 s6, s17;
	s14 =	sshll.u32 @!p1 s14, $0x4  }
0x25: {  	s17 =	simm.s32 @!p1 $0x6400;
	s14 =	sadd.s32 @!p1 s14, s16;
	s16 =	simm.s32 @!p1 $0x40  }
0x26: {  	[tilespmem:s15], [sflag:$0x1] =	stream.strided.gather @!p1 [hbm4b:s14+s16], $0x2000, s17, s16, $0x38;
	[tilespmem:$0x8080] =	vst v63  }
0x27: {  	p1 =	sge.u32 s31, s5  }
.Ltmp2:
0x28: {  	_ = 	snop;
	(pc) =	sbr.rel @p1 .LBB1_5-.Ltmp2, $1  }
0x29: {  	_ =	sdelay $0x3  }
0x2a: {  	s14 =	simm.s32 $0x1  }
0x2b: {  	_ =	swait.ge [sflag:s4], $0x2000;
	s14 =	simm.s32 @!p0 $0x0  }
0x2c: {  	[sflag:s4] =	ssyncset.done $0x0;
	s15 =	sshll.u32 s14, $0xD  }
0x2d: {  	[sflag:s4] =	ssyncadd.s32 $0xFFFFE000;
	s18 =	sor.u32 $0x20, s15  }
0x2e: {  	s14 =	smul.u32 $0x8100, s14;
	v3 =	vld [tilespmem:s18+$0x10]  }
0x2f: {  	s30 =	sand.u32 $0x1, s11;
	v2 =	vld [tilespmem:s18+$0xFFFFFFF0]  }
0x30: {  	s15 =	smul.u32 $0x8100, s30;
	s14 =	sshrl.u32 s14, $0x2;
	v0 =	vld [tilespmem:s18+$0x0]  }
0x31: {  	v1 =	vld [tilespmem:s18+$0xFFFFFFE0];
	s16 =	sor.u32 $0x4000, s14  }
0x32: {  	s31 =	sshrl.u32 s15, $0x2;
	s15 =	sadd.s32 $0x0, s16  }
0x33: {  	s17 =	simm.s32 $0x4;
	s18 =	sadd.s32 $0x40, s18;
	s14 =	sor.u32 $0x4000, s31;
	[tilespmem:s15+$0x1830 ss:$0x81] =	vst.msk $0xffff, v3  }
.LBB1_3:
0x34: {  	v3 =	vld [tilespmem:s18+$0x10];
	p1 =	sne.s32 s17, $0x1FC;
	[tilespmem:s15+$0x810 ss:$0x81] =	vst.msk $0xffff, v2;
	s19 =	smov.u32 s17;
	s17 =	sadd.s32 $0x4, s17  }
.Ltmp3:
0x35: {  	v2 =	vld [tilespmem:s18+$0xFFFFFFF0];
	[tilespmem:s15+$0x1020 ss:$0x81] =	vst.msk $0xffff, v0;
	(pc) =	sbr.rel @p1 .LBB1_3-.Ltmp3, $4  }
0x36: {  	v0 =	vld [tilespmem:s18+$0x0];
	[tilespmem:s15+$0x0 ss:$0x81] =	vst.msk $0xffff, v1  }
0x37: {  	s15 =	sshra.s32 s19, $0x2;
	v1 =	vld [tilespmem:s18+$0xFFFFFFE0]  }
0x38: {  	s15 =	sadd.s32 s15, s16  }
0x39: {  	s18 =	sadd.s32 $0x40, s18;
	[tilespmem:s15+$0x1830 ss:$0x81] =	vst.msk $0xffff, v3  }
.Ltmp4:
0x3a: {  	_ = 	snop;
	(pc) =	sbr.rel .LBB1_4-.Ltmp4, $1  }
0x3b: {  	_ =	sdelay $0x3  }
.LBB1_6:
0x3c: {  	_ =	sfence.sel $0x180000  }
0x3d: {  	s2 =	simm.s32 $0x1;
	[bflag:$0x0] =	sbarrier.arrive $0xFFFF  }
0x3e: {  	s31 =	simm.s32 $0x2;
	[sflag:s2] =	ssyncpa.u1 $0x1  }
0x3f: {  	[sflag:s31] =	ssyncpa.u1 $0x1  }
0x40: {  	p0 =	sne.s32 s0, $0x0;
	_ =	strace $0x9000004A  }
0x41: {  	s0 =	sadd.s32 @!p0 $0x100000, s1;
	[bflag:$0x2] =	sbarrier.arrive $0xFFFF  }
0x42: {  	[sflag:s0] =	ssyncadd.tile.s32 @!p0 $0x1;
	_ =	shalt  }
.Lfunc_end1:
_tile_overlayer_lowered:
.L_overlay_start_2:
0x43: {  	(tag) =	ssettag $0x2  }
0x44: {  	s0 =	rddreg [dreg:$0x0];
	s2 =	stileid.u32  }
0x45: {  	s1 =	rddreg [dreg:$0x1];
	p0 =	sne.s32 s2, $0x0  }
0x46: {  	s3 =	rddreg [dreg:$0x2];
	[bflag:$0x3] =	sbarrier.arrive $0xFFFF;
	s2 =	simm.s32 @!p0 $0x1C01  }
0x47: {  	[timem:s3], [sflag:s2] =	dma.local @!p0 [hbm:s0], s1  }
0x48: {  	s0 =	simm.s32 @!p0 $0x1  }
0x49: {  	_ =	swait.ge @!p0 [sflag:s0], s1  }
0x4a: {  	s1 =	ssub.s32 @!p0 $0x0, s1;
	[sflag:s0] =	ssyncset.done @!p0 $0x0  }
0x4b: {  	[sflag:s0] =	ssyncadd.s32 @!p0 s1  }
0x4c: {  	[bflag:$0x3] =	sbarrier.arrive $0xFFFF  }
0x4d: {  	_ =	shalt  }

</sc_bundles>
